<compile_context>
chip_gen: v7x
topology: tpu7x:2x2x1
jax: 0.10.2.dev20260603
libtpu: 0.0.44.dev20260713+nightly
codegen_flags: <defaults>
</compile_context>

<pallas_src>
import functools

import jax
import jax.numpy as jnp
from jax import lax
from jax.experimental import pallas as pl
from jax.experimental.pallas import tpu as pltpu
from jax.experimental.pallas import tpu_sc as plsc

_BATCH = 256
_N_TOK = 77
_PAD_TOK = 80
_D = 768
_LANES = 16
_REGIONS = ((0, 32), (32, 48))


def _sc_embed(tokens_pflat, table, pos, pos_tail):
    info = plsc.get_sparse_core_info()
    num_workers = info.num_cores * info.num_subcores
    b_per_w = _BATCH // num_workers

    mesh = plsc.VectorSubcoreMesh(core_axis_name="c", subcore_axis_name="s")

    @functools.partial(
        pl.kernel,
        mesh=mesh,
        out_type=jax.ShapeDtypeStruct((_BATCH, _N_TOK, _D), jnp.float32),
        scratch_types=[
            pltpu.VMEM((b_per_w * _PAD_TOK,), jnp.int32),
            pltpu.VMEM((_PAD_TOK, _D), jnp.float32),
            pltpu.VMEM((_PAD_TOK, _D), jnp.float32),
        ] + [pltpu.VMEM((n,), jnp.int32) for _, n in _REGIONS]
        + [pltpu.SemaphoreType.DMA] * (2 * len(_REGIONS)),
    )
    def body(
        tok_hbm, tab_hbm, pos_hbm, ptail_hbm, out_hbm,
        idx_v, buf, pos_v, *map_and_sems
    ):
        nr = len(_REGIONS)
        maps = map_and_sems[:nr]
        gsems = map_and_sems[nr:2 * nr]
        ssems = map_and_sems[2 * nr:3 * nr]
        wid = lax.axis_index("s") * info.num_cores + lax.axis_index("c")
        b0 = wid * b_per_w

        lanes = lax.iota(jnp.int32, _LANES)
        fold = lanes - jnp.where(lanes >= 13, 3, 0)
        for r, (o, n) in enumerate(_REGIONS):
            for t in range(n // _LANES):
                base = o + t * _LANES
                vals = fold + 64 if base == 64 else lanes + base
                maps[r][pl.ds(t * _LANES, _LANES)] = vals

        pltpu.sync_copy(pos_hbm.at[pl.ds(0, 72)], pos_v.at[pl.ds(0, 72)])
        pltpu.sync_copy(ptail_hbm, pos_v.at[pl.ds(72, 8)])

        pltpu.sync_copy(
            tok_hbm.at[pl.ds(b0 * _PAD_TOK, b_per_w * _PAD_TOK)], idx_v
        )

        def start_gather(j, r):
            o, n = _REGIONS[r]
            pltpu.async_copy(
                tab_hbm.at[idx_v.at[pl.ds(j * _PAD_TOK + o, n)]],
                buf.at[pl.ds(o, n)],
                gsems[r],
            )

        def wait_gather(r):
            o, n = _REGIONS[r]
            pltpu.make_async_copy(
                tab_hbm.at[idx_v.at[pl.ds(0, n)]], buf.at[pl.ds(o, n)], gsems[r]
            ).wait()

        def start_scatter(b, r):
            o, n = _REGIONS[r]
            pltpu.async_copy(
                buf.at[pl.ds(o, n)], out_hbm.at[b].at[maps[r]], ssems[r]
            )

        def wait_scatter(b, r):
            o, n = _REGIONS[r]
            pltpu.make_async_copy(
                buf.at[pl.ds(o, n)], out_hbm.at[b].at[maps[r]], ssems[r]
            ).wait()

        def add_region(r):
            o, n = _REGIONS[r]

            @plsc.parallel_loop(o, o + n)
            def _(i):
                @plsc.parallel_loop(0, _D // _LANES, unroll=16)
                def _(k):
                    sl = pl.ds(k * _LANES, _LANES)
                    buf[i, sl] = buf[i, sl] + pos_v[i, sl]

        def batch(j, carry):
            b = b0 + j
            for r in range(len(_REGIONS)):
                @pl.when(j > 0)
                def _():
                    wait_scatter(b - 1, r)

                start_gather(j, r)
            for r in range(len(_REGIONS)):
                wait_gather(r)
                add_region(r)
                start_scatter(b, r)
            return carry

        lax.fori_loop(0, b_per_w, batch, 0)
        for r in range(len(_REGIONS)):
            wait_scatter(b0 + b_per_w - 1, r)

    return body(tokens_pflat, table, pos, pos_tail)


def kernel(tokens, token_embedding, positional_embedding):
    tokens_pad = jnp.concatenate(
        [tokens.astype(jnp.int32), tokens[:, 74:77].astype(jnp.int32)], axis=1
    ).reshape(-1)
    tail_rows = jnp.array([72, 73, 74, 75, 76, 74, 75, 76], dtype=jnp.int32)
    pos_tail = jnp.take(positional_embedding, tail_rows, axis=0)
    return _sc_embed(
        tokens_pad, token_embedding, positional_embedding, pos_tail
    )

# --- scband reference (transcript-rebuilt; emitter-appended) ---
"""Pipeline reference for scband-clipembedding-70892730188017 (READ-ONLY COPY).

The authoritative reference and input builder live on the scoring server;
editing this copy changes nothing except your own understanding.
"""

import jax, jax.numpy as jnp
import numpy as np

VOCAB_SIZE = 49408
D_EMBED = 768
N_TOKENS = 77
BATCH = 256

def setup_inputs(seed: int = 0) -> dict:
    key = jax.random.key(seed)
    k_tok, k_tab = jax.random.split(key)
    tokens = jax.random.randint(k_tok, (BATCH, N_TOKENS), 0, VOCAB_SIZE, dtype=jnp.int64 if jax.config.jax_enable_x64 else jnp.int32)
    token_embedding = jax.random.normal(k_tab, (VOCAB_SIZE, D_EMBED), dtype=jnp.float32) * 0.02
    positional_embedding = jnp.zeros((N_TOKENS, D_EMBED), dtype=jnp.float32)
    return {"tokens": tokens, "token_embedding": token_embedding, "positional_embedding": positional_embedding}

def reference(tokens, token_embedding, positional_embedding):
    # x = self.token_embedding(tokens)
    x = jnp.take(token_embedding, tokens, axis=0)  # [B, n_tokens, d_embed]
    # x += self.positional_embedding (broadcast over batch)
    x = x + positional_embedding
    return x

if __name__ == "__main__":
    import jax
    _d = setup_inputs()
    print(jax.jit(kernel)(*tuple(_d.values())))

</pallas_src>

<mosaic_0001>
#map = affine_map<(d0, d1) -> (0)>
#map1 = affine_map<(d0, d1) -> (0, 0)>
#map2 = affine_map<(d0, d1) -> (0, 0, 0)>
module attributes {stable_mosaic.version = 14 : i64} {
  func.func @body(%arg0: i32, %arg1: i32, %arg2: memref<20480xi32, #tpu.memory_space<hbm>>, %arg3: memref<49408x768xf32, #tpu.memory_space<hbm>>, %arg4: memref<77x768xf32, #tpu.memory_space<hbm>>, %arg5: memref<8x768xf32, #tpu.memory_space<hbm>>, %arg6: memref<256x77x768xf32, #tpu.memory_space<hbm>>, %arg7: memref<640xi32, #tpu.memory_space<vmem>>, %arg8: memref<80x768xf32, #tpu.memory_space<vmem>>, %arg9: memref<80x768xf32, #tpu.memory_space<vmem>>, %arg10: memref<32xi32, #tpu.memory_space<vmem>>, %arg11: memref<48xi32, #tpu.memory_space<vmem>>, %arg12: memref<!tpu.dma_semaphore, #tpu.memory_space<semaphore_mem>>, %arg13: memref<!tpu.dma_semaphore, #tpu.memory_space<semaphore_mem>>, %arg14: memref<!tpu.dma_semaphore, #tpu.memory_space<semaphore_mem>>, %arg15: memref<!tpu.dma_semaphore, #tpu.memory_space<semaphore_mem>>) attributes {dimension_semantics = [#tpu.dimension_semantics<core_parallel>, #tpu.dimension_semantics<subcore_parallel>], iteration_bounds = array<i64: 2, 16>, scalar_prefetch = 0 : i64, scratch_operands = 9 : i64, tpu.core_type = #tpu.core_type<sc_vector_subcore>, window_params = [{transform_indices = #map}, {transform_indices = #map1}, {transform_indices = #map1}, {transform_indices = #map1}, {transform_indices = #map2}]} {
    %mul3A = arith.constant 2 : i32
    %mul3A_0 = arith.muli %arg1, %mul3A : i32
    %add3A = arith.addi %mul3A_0, %arg0 : i32
    %mul3A_1 = arith.constant 8 : i32
    %mul3A_2 = arith.muli %add3A, %mul3A_1 : i32
    %iota3A = tpu.iota {dimensions = array<i32: 0>} : vector<16xi32>
    %ge3A = arith.constant 13 : i32
    %ge3A_3 = vector.broadcast %ge3A : i32 to vector<16xi32>
    %ge3A_4 = arith.cmpi sge, %iota3A, %ge3A_3 : vector<16xi32>
    %jit3A = arith.constant 3 : i32
    %jit3A_5 = arith.constant 0 : i32
    %broadcast_in_dim3A = vector.broadcast %jit3A : i32 to vector<16xi32>
    %broadcast_in_dim3A_6 = vector.broadcast %jit3A_5 : i32 to vector<16xi32>
    %select_n3A = arith.select %ge3A_4, %broadcast_in_dim3A, %broadcast_in_dim3A_6 : vector<16xi1>, vector<16xi32>
    %sub3A = arith.subi %iota3A, %select_n3A : vector<16xi32>
    %add3A_7 = arith.constant 0 : i32
    %add3A_8 = vector.broadcast %add3A_7 : i32 to vector<16xi32>
    %add3A_9 = arith.addi %iota3A, %add3A_8 : vector<16xi32>
    %swap3A = arith.constant 0 : index
    %swap3A_10 = tpu.vector_load %arg10[%swap3A] {strides = array<i32>} : memref<32xi32, #tpu.memory_space<vmem>>, vector<16xi32>,
    %swap3A_11 = vector.shape_cast %swap3A_10 : vector<16xi32> to vector<16xi32>
    %swap3A_12 = vector.shape_cast %add3A_9 : vector<16xi32> to vector<16xi32>
    tpu.vector_store %arg10[%swap3A], %swap3A_12 {strides = array<i32>} : memref<32xi32, #tpu.memory_space<vmem>>, vector<16xi32>,
    %add3A_13 = arith.constant 16 : i32
    %add3A_14 = vector.broadcast %add3A_13 : i32 to vector<16xi32>
    %add3A_15 = arith.addi %iota3A, %add3A_14 : vector<16xi32>
    %swap3A_16 = arith.constant 16 : index
    %swap3A_17 = tpu.vector_load %arg10[%swap3A_16] {strides = array<i32>} : memref<32xi32, #tpu.memory_space<vmem>>, vector<16xi32>,
    %swap3A_18 = vector.shape_cast %swap3A_17 : vector<16xi32> to vector<16xi32>
    %swap3A_19 = vector.shape_cast %add3A_15 : vector<16xi32> to vector<16xi32>
    tpu.vector_store %arg10[%swap3A_16], %swap3A_19 {strides = array<i32>} : memref<32xi32, #tpu.memory_space<vmem>>, vector<16xi32>,
    %add3A_20 = arith.constant 32 : i32
    %add3A_21 = vector.broadcast %add3A_20 : i32 to vector<16xi32>
    %add3A_22 = arith.addi %iota3A, %add3A_21 : vector<16xi32>
    %swap3A_23 = arith.constant 0 : index
    %swap3A_24 = tpu.vector_load %arg11[%swap3A_23] {strides = array<i32>} : memref<48xi32, #tpu.memory_space<vmem>>, vector<16xi32>,
    %swap3A_25 = vector.shape_cast %swap3A_24 : vector<16xi32> to vector<16xi32>
    %swap3A_26 = vector.shape_cast %add3A_22 : vector<16xi32> to vector<16xi32>
    tpu.vector_store %arg11[%swap3A_23], %swap3A_26 {strides = array<i32>} : memref<48xi32, #tpu.memory_space<vmem>>, vector<16xi32>,
    %add3A_27 = arith.constant 48 : i32
    %add3A_28 = vector.broadcast %add3A_27 : i32 to vector<16xi32>
    %add3A_29 = arith.addi %iota3A, %add3A_28 : vector<16xi32>
    %swap3A_30 = arith.constant 16 : index
    %swap3A_31 = tpu.vector_load %arg11[%swap3A_30] {strides = array<i32>} : memref<48xi32, #tpu.memory_space<vmem>>, vector<16xi32>,
    %swap3A_32 = vector.shape_cast %swap3A_31 : vector<16xi32> to vector<16xi32>
    %swap3A_33 = vector.shape_cast %add3A_29 : vector<16xi32> to vector<16xi32>
    tpu.vector_store %arg11[%swap3A_30], %swap3A_33 {strides = array<i32>} : memref<48xi32, #tpu.memory_space<vmem>>, vector<16xi32>,
    %add3A_34 = arith.constant 64 : i32
    %add3A_35 = vector.broadcast %add3A_34 : i32 to vector<16xi32>
    %add3A_36 = arith.addi %sub3A, %add3A_35 : vector<16xi32>
    %swap3A_37 = arith.constant 32 : index
    %swap3A_38 = tpu.vector_load %arg11[%swap3A_37] {strides = array<i32>} : memref<48xi32, #tpu.memory_space<vmem>>, vector<16xi32>,
    %swap3A_39 = vector.shape_cast %swap3A_38 : vector<16xi32> to vector<16xi32>
    %swap3A_40 = vector.shape_cast %add3A_36 : vector<16xi32> to vector<16xi32>
    tpu.vector_store %arg11[%swap3A_37], %swap3A_40 {strides = array<i32>} : memref<48xi32, #tpu.memory_space<vmem>>, vector<16xi32>,
    "tpu.region"() ({
      %run_scoped3A = tpu.sem_alloc : memref<!tpu.dma_semaphore, #tpu.memory_space<semaphore_mem>>
      %dma_start3A = arith.constant 0 : i32
      %dma_start3A_75 = arith.constant 0 : i32
      %dma_start3A_76 = tpu.memref_slice %arg9[%dma_start3A, %dma_start3A_75] : memref<80x768xf32, #tpu.memory_space<vmem>> -> memref<72x768xf32, #tpu.memory_space<vmem>>
      %dma_start3A_77 = arith.constant 0 : i32
      %dma_start3A_78 = arith.constant 0 : i32
      %dma_start3A_79 = tpu.memref_slice %arg4[%dma_start3A_77, %dma_start3A_78] : memref<77x768xf32, #tpu.memory_space<hbm>> -> memref<72x768xf32, #tpu.memory_space<hbm>>
      %dma_start3A_80 = arith.constant 0 : i32
      %dma_start3A_81 = arith.constant 0 : i32
      %dma_start3A_82 = tpu.memref_slice %arg9[%dma_start3A_80, %dma_start3A_81] : memref<80x768xf32, #tpu.memory_space<vmem>> -> memref<72x768xf32, #tpu.memory_space<vmem>>
      %dma_start3A_83 = arith.constant 0 : i32
      %dma_start3A_84 = arith.constant 0 : i32
      %dma_start3A_85 = tpu.memref_slice %arg4[%dma_start3A_83, %dma_start3A_84] : memref<77x768xf32, #tpu.memory_space<hbm>> -> memref<72x768xf32, #tpu.memory_space<hbm>>
      tpu.enqueue_dma source(%dma_start3A_85 : memref<72x768xf32, #tpu.memory_space<hbm>>) target(%dma_start3A_82 : memref<72x768xf32, #tpu.memory_space<vmem>>) target_semaphore(%run_scoped3A : memref<!tpu.dma_semaphore, #tpu.memory_space<semaphore_mem>>)
      %dma_wait3A_86 = arith.constant 0 : i32
      %dma_wait3A_87 = arith.constant 0 : i32
      %dma_wait3A_88 = tpu.memref_slice %arg9[%dma_wait3A_86, %dma_wait3A_87] : memref<80x768xf32, #tpu.memory_space<vmem>> -> memref<72x768xf32, #tpu.memory_space<vmem>>
      %dma_wait3A_89 = arith.constant 0 : i32
      %dma_wait3A_90 = arith.constant 0 : i32
      %dma_wait3A_91 = tpu.memref_slice %arg4[%dma_wait3A_89, %dma_wait3A_90] : memref<77x768xf32, #tpu.memory_space<hbm>> -> memref<72x768xf32, #tpu.memory_space<hbm>>
      %dma_wait3A_92 = arith.constant 0 : i32
      %dma_wait3A_93 = arith.constant 0 : i32
      %dma_wait3A_94 = tpu.memref_slice %arg9[%dma_wait3A_92, %dma_wait3A_93] : memref<80x768xf32, #tpu.memory_space<vmem>> -> memref<72x768xf32, #tpu.memory_space<vmem>>
      %dma_wait3A_95 = arith.constant 0 : i32
      %dma_wait3A_96 = arith.constant 0 : i32
      %dma_wait3A_97 = tpu.memref_slice %arg4[%dma_wait3A_95, %dma_wait3A_96] : memref<77x768xf32, #tpu.memory_space<hbm>> -> memref<72x768xf32, #tpu.memory_space<hbm>>
      tpu.wait_dma2 semaphore(%run_scoped3A : memref<!tpu.dma_semaphore, #tpu.memory_space<semaphore_mem>>) src(%dma_wait3A_97 : memref<72x768xf32, #tpu.memory_space<hbm>>) dst(%dma_wait3A_94 : memref<72x768xf32, #tpu.memory_space<vmem>>)
      tpu.yield
    }) : () -> ()
    "tpu.region"() ({
      %run_scoped3A = tpu.sem_alloc : memref<!tpu.dma_semaphore, #tpu.memory_space<semaphore_mem>>
      %dma_start3A = arith.constant 72 : i32
      %dma_start3A_75 = arith.constant 0 : i32
      %dma_start3A_76 = tpu.memref_slice %arg9[%dma_start3A, %dma_start3A_75] : memref<80x768xf32, #tpu.memory_space<vmem>> -> memref<8x768xf32, #tpu.memory_space<vmem>>
      %dma_start3A_77 = arith.constant 72 : i32
      %dma_start3A_78 = arith.constant 0 : i32
      %dma_start3A_79 = tpu.memref_slice %arg9[%dma_start3A_77, %dma_start3A_78] : memref<80x768xf32, #tpu.memory_space<vmem>> -> memref<8x768xf32, #tpu.memory_space<vmem>>
      tpu.enqueue_dma source(%arg5 : memref<8x768xf32, #tpu.memory_space<hbm>>) target(%dma_start3A_79 : memref<8x768xf32, #tpu.memory_space<vmem>>) target_semaphore(%run_scoped3A : memref<!tpu.dma_semaphore, #tpu.memory_space<semaphore_mem>>)
      %dma_wait3A_80 = arith.constant 72 : i32
      %dma_wait3A_81 = arith.constant 0 : i32
      %dma_wait3A_82 = tpu.memref_slice %arg9[%dma_wait3A_80, %dma_wait3A_81] : memref<80x768xf32, #tpu.memory_space<vmem>> -> memref<8x768xf32, #tpu.memory_space<vmem>>
      %dma_wait3A_83 = arith.constant 72 : i32
      %dma_wait3A_84 = arith.constant 0 : i32
      %dma_wait3A_85 = tpu.memref_slice %arg9[%dma_wait3A_83, %dma_wait3A_84] : memref<80x768xf32, #tpu.memory_space<vmem>> -> memref<8x768xf32, #tpu.memory_space<vmem>>
      tpu.wait_dma2 semaphore(%run_scoped3A : memref<!tpu.dma_semaphore, #tpu.memory_space<semaphore_mem>>) src(%arg5 : memref<8x768xf32, #tpu.memory_space<hbm>>) dst(%dma_wait3A_85 : memref<8x768xf32, #tpu.memory_space<vmem>>)
      tpu.yield
    }) : () -> ()
    %mul3A_41 = arith.constant 80 : i32
    %mul3A_42 = arith.muli %mul3A_2, %mul3A_41 : i32
    "tpu.region"() ({
      %run_scoped3A = tpu.sem_alloc : memref<!tpu.dma_semaphore, #tpu.memory_space<semaphore_mem>>
      %dma_start3A = tpu.memref_slice %arg2[%mul3A_42] : memref<20480xi32, #tpu.memory_space<hbm>> -> memref<640xi32, #tpu.memory_space<hbm>>
      %dma_start3A_75 = tpu.memref_slice %arg2[%mul3A_42] : memref<20480xi32, #tpu.memory_space<hbm>> -> memref<640xi32, #tpu.memory_space<hbm>>
      tpu.enqueue_dma source(%dma_start3A_75 : memref<640xi32, #tpu.memory_space<hbm>>) target(%arg7 : memref<640xi32, #tpu.memory_space<vmem>>) target_semaphore(%run_scoped3A : memref<!tpu.dma_semaphore, #tpu.memory_space<semaphore_mem>>)
      %dma_wait3A_76 = tpu.memref_slice %arg2[%mul3A_42] : memref<20480xi32, #tpu.memory_space<hbm>> -> memref<640xi32, #tpu.memory_space<hbm>>
      %dma_wait3A_77 = tpu.memref_slice %arg2[%mul3A_42] : memref<20480xi32, #tpu.memory_space<hbm>> -> memref<640xi32, #tpu.memory_space<hbm>>
      tpu.wait_dma2 semaphore(%run_scoped3A : memref<!tpu.dma_semaphore, #tpu.memory_space<semaphore_mem>>) src(%dma_wait3A_77 : memref<640xi32, #tpu.memory_space<hbm>>) dst(%arg7 : memref<640xi32, #tpu.memory_space<vmem>>)
      tpu.yield
    }) : () -> ()
    %scan3A = arith.constant 0 : i32
    %scan3A_43 = arith.constant 0 : i32
    %scan3A_44 = arith.constant 8 : i32
    %scan3A_45 = arith.addi %scan3A_43, %scan3A_44 : i32
    %scan3A_46 = arith.constant 1 : i32
    scf.for %scan3A_75 = %scan3A_43 to %scan3A_45 step %scan3A_46  : i32 {
      %add3A_76 = arith.addi %mul3A_2, %scan3A_75 : i32
      %gt3A = arith.constant 0 : i32
      %gt3A_77 = arith.cmpi sgt, %scan3A_75, %gt3A : i32
      %convert_element_type3A = arith.extui %gt3A_77 : i1 to i32
      %cond3A = arith.constant 0 : i32
      %cond3A_78 = arith.cmpi ne, %convert_element_type3A, %cond3A : i32
      scf.if %cond3A_78 {
        %sub3A_146 = arith.constant 1 : i32
        %sub3A_147 = arith.subi %add3A_76, %sub3A_146 : i32
        %dma_wait3A_148 = arith.constant 0 : i32
        %dma_wait3A_149 = arith.constant 0 : i32
        %dma_wait3A_150 = tpu.memref_slice %arg8[%dma_wait3A_148, %dma_wait3A_149] : memref<80x768xf32, #tpu.memory_space<vmem>> -> memref<32x768xf32, #tpu.memory_space<vmem>>
        %dma_wait3A_151 = arith.constant 0 : i32
        %dma_wait3A_152 = arith.constant 0 : i32
        %dma_wait3A_153 = tpu.memref_slice %arg6[%sub3A_147, %dma_wait3A_151, %dma_wait3A_152] : memref<256x77x768xf32, #tpu.memory_space<hbm>> -> memref<1x77x768xf32, #tpu.memory_space<hbm>>
        %dma_wait3A_154 = tpu.memref_squeeze %dma_wait3A_153 : memref<1x77x768xf32, #tpu.memory_space<hbm>> -> memref<77x768xf32, #tpu.memory_space<hbm>>
        %dma_wait3A_155 = arith.constant 0 : i32
        %dma_wait3A_156 = arith.constant 0 : i32
        %dma_wait3A_157 = tpu.memref_slice %dma_wait3A_154[%dma_wait3A_155, %dma_wait3A_156] : memref<77x768xf32, #tpu.memory_space<hbm>> -> memref<77x768xf32, #tpu.memory_space<hbm>>
        tpu.wait_indirect_dma semaphore(%arg14 : memref<!tpu.dma_semaphore, #tpu.memory_space<semaphore_mem>>) src(%dma_wait3A_150 : memref<32x768xf32, #tpu.memory_space<vmem>>) dst(%dma_wait3A_157 : memref<77x768xf32, #tpu.memory_space<hbm>>)
      } else {
      }
      %mul3A_79 = arith.constant 80 : i32
      %mul3A_80 = arith.muli %scan3A_75, %mul3A_79 : i32
      %add3A_81 = arith.constant 0 : i32
      %add3A_82 = arith.addi %mul3A_80, %add3A_81 : i32
      %dma_start3A = arith.constant 0 : i32
      %dma_start3A_83 = arith.constant 0 : i32
      %dma_start3A_84 = tpu.memref_slice %arg8[%dma_start3A, %dma_start3A_83] : memref<80x768xf32, #tpu.memory_space<vmem>> -> memref<32x768xf32, #tpu.memory_space<vmem>>
      %dma_start3A_85 = tpu.memref_slice %arg7[%add3A_82] : memref<640xi32, #tpu.memory_space<vmem>> -> memref<32xi32, #tpu.memory_space<vmem>>
      %dma_start3A_86 = arith.constant 0 : i32
      %dma_start3A_87 = arith.constant 0 : i32
      %dma_start3A_88 = tpu.memref_slice %arg3[%dma_start3A_86, %dma_start3A_87] : memref<49408x768xf32, #tpu.memory_space<hbm>> -> memref<49408x768xf32, #tpu.memory_space<hbm>>
      tpu.enqueue_indirect_dma source(%dma_start3A_88 : memref<49408x768xf32, #tpu.memory_space<hbm>>) target(%dma_start3A_84 : memref<32x768xf32, #tpu.memory_space<vmem>>) offsets(%dma_start3A_85 : memref<32xi32, #tpu.memory_space<vmem>>) semaphore(%arg12 : memref<!tpu.dma_semaphore, #tpu.memory_space<semaphore_mem>>)
      %gt3A_89 = arith.constant 0 : i32
      %gt3A_90 = arith.cmpi sgt, %scan3A_75, %gt3A_89 : i32
      %convert_element_type3A_91 = arith.extui %gt3A_90 : i1 to i32
      %cond3A_92 = arith.constant 0 : i32
      %cond3A_93 = arith.cmpi ne, %convert_element_type3A_91, %cond3A_92 : i32
      scf.if %cond3A_93 {
        %sub3A_146 = arith.constant 1 : i32
        %sub3A_147 = arith.subi %add3A_76, %sub3A_146 : i32
        %dma_wait3A_148 = arith.constant 32 : i32
        %dma_wait3A_149 = arith.constant 0 : i32
        %dma_wait3A_150 = tpu.memref_slice %arg8[%dma_wait3A_148, %dma_wait3A_149] : memref<80x768xf32, #tpu.memory_space<vmem>> -> memref<48x768xf32, #tpu.memory_space<vmem>>
        %dma_wait3A_151 = arith.constant 0 : i32
        %dma_wait3A_152 = arith.constant 0 : i32
        %dma_wait3A_153 = tpu.memref_slice %arg6[%sub3A_147, %dma_wait3A_151, %dma_wait3A_152] : memref<256x77x768xf32, #tpu.memory_space<hbm>> -> memref<1x77x768xf32, #tpu.memory_space<hbm>>
        %dma_wait3A_154 = tpu.memref_squeeze %dma_wait3A_153 : memref<1x77x768xf32, #tpu.memory_space<hbm>> -> memref<77x768xf32, #tpu.memory_space<hbm>>
        %dma_wait3A_155 = arith.constant 0 : i32
        %dma_wait3A_156 = arith.constant 0 : i32
        %dma_wait3A_157 = tpu.memref_slice %dma_wait3A_154[%dma_wait3A_155, %dma_wait3A_156] : memref<77x768xf32, #tpu.memory_space<hbm>> -> memref<77x768xf32, #tpu.memory_space<hbm>>
        tpu.wait_indirect_dma semaphore(%arg15 : memref<!tpu.dma_semaphore, #tpu.memory_space<semaphore_mem>>) src(%dma_wait3A_150 : memref<48x768xf32, #tpu.memory_space<vmem>>) dst(%dma_wait3A_157 : memref<77x768xf32, #tpu.memory_space<hbm>>)
      } else {
      }
      %mul3A_94 = arith.constant 80 : i32
      %mul3A_95 = arith.muli %scan3A_75, %mul3A_94 : i32
      %add3A_96 = arith.constant 32 : i32
      %add3A_97 = arith.addi %mul3A_95, %add3A_96 : i32
      %dma_start3A_98 = arith.constant 32 : i32
      %dma_start3A_99 = arith.constant 0 : i32
      %dma_start3A_100 = tpu.memref_slice %arg8[%dma_start3A_98, %dma_start3A_99] : memref<80x768xf32, #tpu.memory_space<vmem>> -> memref<48x768xf32, #tpu.memory_space<vmem>>
      %dma_start3A_101 = tpu.memref_slice %arg7[%add3A_97] : memref<640xi32, #tpu.memory_space<vmem>> -> memref<48xi32, #tpu.memory_space<vmem>>
      %dma_start3A_102 = arith.constant 0 : i32
      %dma_start3A_103 = arith.constant 0 : i32
      %dma_start3A_104 = tpu.memref_slice %arg3[%dma_start3A_102, %dma_start3A_103] : memref<49408x768xf32, #tpu.memory_space<hbm>> -> memref<49408x768xf32, #tpu.memory_space<hbm>>
      tpu.enqueue_indirect_dma source(%dma_start3A_104 : memref<49408x768xf32, #tpu.memory_space<hbm>>) target(%dma_start3A_100 : memref<48x768xf32, #tpu.memory_space<vmem>>) offsets(%dma_start3A_101 : memref<48xi32, #tpu.memory_space<vmem>>) semaphore(%arg13 : memref<!tpu.dma_semaphore, #tpu.memory_space<semaphore_mem>>)
      %dma_wait3A_105 = arith.constant 0 : i32
      %dma_wait3A_106 = arith.constant 0 : i32
      %dma_wait3A_107 = tpu.memref_slice %arg8[%dma_wait3A_105, %dma_wait3A_106] : memref<80x768xf32, #tpu.memory_space<vmem>> -> memref<32x768xf32, #tpu.memory_space<vmem>>
      %dma_wait3A_108 = arith.constant 0 : i32
      %dma_wait3A_109 = tpu.memref_slice %arg7[%dma_wait3A_108] : memref<640xi32, #tpu.memory_space<vmem>> -> memref<32xi32, #tpu.memory_space<vmem>>
      %dma_wait3A_110 = arith.constant 0 : i32
      %dma_wait3A_111 = arith.constant 0 : i32
      %dma_wait3A_112 = tpu.memref_slice %arg3[%dma_wait3A_110, %dma_wait3A_111] : memref<49408x768xf32, #tpu.memory_space<hbm>> -> memref<49408x768xf32, #tpu.memory_space<hbm>>
      tpu.wait_indirect_dma semaphore(%arg12 : memref<!tpu.dma_semaphore, #tpu.memory_space<semaphore_mem>>) src(%dma_wait3A_112 : memref<49408x768xf32, #tpu.memory_space<hbm>>) dst(%dma_wait3A_107 : memref<32x768xf32, #tpu.memory_space<vmem>>)
      %parallel_loop3A = arith.constant 0 : i32
      %parallel_loop3A_113 = arith.constant 32 : i32
      %parallel_loop3A_114 = arith.constant 1 : i32
      scf.for %parallel_loop3A_146 = %parallel_loop3A to %parallel_loop3A_113 step %parallel_loop3A_114  : i32 {
        %parallel_loop3A_147 = arith.constant 0 : i32
        %parallel_loop3A_148 = arith.constant 48 : i32
        %parallel_loop3A_149 = arith.constant 1 : i32
        scf.for %parallel_loop3A_150 = %parallel_loop3A_147 to %parallel_loop3A_148 step %parallel_loop3A_149  : i32 {
          %parallel_loop3A_151 = arith.constant 16 : i32
          %parallel_loop3A_152 = arith.muli %parallel_loop3A_150, %parallel_loop3A_151 : i32
          %parallel_loop3A_153 = arith.index_cast %parallel_loop3A_146 : i32 to index
          %parallel_loop3A_154 = arith.index_cast %parallel_loop3A_152 : i32 to index
          %parallel_loop3A_155 = tpu.vector_load %arg8[%parallel_loop3A_153, %parallel_loop3A_154] {strides = array<i32>} : memref<80x768xf32, #tpu.memory_space<vmem>>, vector<1x16xf32>,
          %parallel_loop3A_156 = vector.shape_cast %parallel_loop3A_155 : vector<1x16xf32> to vector<16xf32>
          %parallel_loop3A_157 = arith.index_cast %parallel_loop3A_146 : i32 to index
          %parallel_loop3A_158 = arith.index_cast %parallel_loop3A_152 : i32 to index
          %parallel_loop3A_159 = tpu.vector_load %arg9[%parallel_loop3A_157, %parallel_loop3A_158] {strides = array<i32>} : memref<80x768xf32, #tpu.memory_space<vmem>>, vector<1x16xf32>,
          %parallel_loop3A_160 = vector.shape_cast %parallel_loop3A_159 : vector<1x16xf32> to vector<16xf32>
          %parallel_loop3A_161 = arith.addf %parallel_loop3A_156, %parallel_loop3A_160 : vector<16xf32>
          %parallel_loop3A_162 = arith.index_cast %parallel_loop3A_146 : i32 to index
          %parallel_loop3A_163 = arith.index_cast %parallel_loop3A_152 : i32 to index
          %parallel_loop3A_164 = tpu.vector_load %arg8[%parallel_loop3A_162, %parallel_loop3A_163] {strides = array<i32>} : memref<80x768xf32, #tpu.memory_space<vmem>>, vector<1x16xf32>,
          %parallel_loop3A_165 = vector.shape_cast %parallel_loop3A_164 : vector<1x16xf32> to vector<16xf32>
          %parallel_loop3A_166 = vector.shape_cast %parallel_loop3A_161 : vector<16xf32> to vector<1x16xf32>
          tpu.vector_store %arg8[%parallel_loop3A_162, %parallel_loop3A_163], %parallel_loop3A_166 {strides = array<i32>} : memref<80x768xf32, #tpu.memory_space<vmem>>, vector<1x16xf32>,
        } {sc.loop_unroll_factor = 16 : i64, sc.parallel_access}
      } {sc.loop_unroll_factor = 1 : i64, sc.parallel_access}
      %dma_start3A_115 = arith.constant 0 : i32
      %dma_start3A_116 = arith.constant 0 : i32
      %dma_start3A_117 = tpu.memref_slice %arg8[%dma_start3A_115, %dma_start3A_116] : memref<80x768xf32, #tpu.memory_space<vmem>> -> memref<32x768xf32, #tpu.memory_space<vmem>>
      %dma_start3A_118 = arith.constant 0 : i32
      %dma_start3A_119 = arith.constant 0 : i32
      %dma_start3A_120 = tpu.memref_slice %arg6[%add3A_76, %dma_start3A_118, %dma_start3A_119] : memref<256x77x768xf32, #tpu.memory_space<hbm>> -> memref<1x77x768xf32, #tpu.memory_space<hbm>>
      %dma_start3A_121 = tpu.memref_squeeze %dma_start3A_120 : memref<1x77x768xf32, #tpu.memory_space<hbm>> -> memref<77x768xf32, #tpu.memory_space<hbm>>
      %dma_start3A_122 = arith.constant 0 : i32
      %dma_start3A_123 = arith.constant 0 : i32
      %dma_start3A_124 = tpu.memref_slice %dma_start3A_121[%dma_start3A_122, %dma_start3A_123] : memref<77x768xf32, #tpu.memory_space<hbm>> -> memref<77x768xf32, #tpu.memory_space<hbm>>
      tpu.enqueue_indirect_dma source(%dma_start3A_117 : memref<32x768xf32, #tpu.memory_space<vmem>>) target(%dma_start3A_124 : memref<77x768xf32, #tpu.memory_space<hbm>>) offsets(%arg10 : memref<32xi32, #tpu.memory_space<vmem>>) semaphore(%arg14 : memref<!tpu.dma_semaphore, #tpu.memory_space<semaphore_mem>>)
      %dma_wait3A_125 = arith.constant 32 : i32
      %dma_wait3A_126 = arith.constant 0 : i32
      %dma_wait3A_127 = tpu.memref_slice %arg8[%dma_wait3A_125, %dma_wait3A_126] : memref<80x768xf32, #tpu.memory_space<vmem>> -> memref<48x768xf32, #tpu.memory_space<vmem>>
      %dma_wait3A_128 = arith.constant 0 : i32
      %dma_wait3A_129 = tpu.memref_slice %arg7[%dma_wait3A_128] : memref<640xi32, #tpu.memory_space<vmem>> -> memref<48xi32, #tpu.memory_space<vmem>>
      %dma_wait3A_130 = arith.constant 0 : i32
      %dma_wait3A_131 = arith.constant 0 : i32
      %dma_wait3A_132 = tpu.memref_slice %arg3[%dma_wait3A_130, %dma_wait3A_131] : memref<49408x768xf32, #tpu.memory_space<hbm>> -> memref<49408x768xf32, #tpu.memory_space<hbm>>
      tpu.wait_indirect_dma semaphore(%arg13 : memref<!tpu.dma_semaphore, #tpu.memory_space<semaphore_mem>>) src(%dma_wait3A_132 : memref<49408x768xf32, #tpu.memory_space<hbm>>) dst(%dma_wait3A_127 : memref<48x768xf32, #tpu.memory_space<vmem>>)
      %parallel_loop3A_133 = arith.constant 32 : i32
      %parallel_loop3A_134 = arith.constant 80 : i32
      %parallel_loop3A_135 = arith.constant 1 : i32
      scf.for %parallel_loop3A_146 = %parallel_loop3A_133 to %parallel_loop3A_134 step %parallel_loop3A_135  : i32 {
        %parallel_loop3A_147 = arith.constant 0 : i32
        %parallel_loop3A_148 = arith.constant 48 : i32
        %parallel_loop3A_149 = arith.constant 1 : i32
        scf.for %parallel_loop3A_150 = %parallel_loop3A_147 to %parallel_loop3A_148 step %parallel_loop3A_149  : i32 {
          %parallel_loop3A_151 = arith.constant 16 : i32
          %parallel_loop3A_152 = arith.muli %parallel_loop3A_150, %parallel_loop3A_151 : i32
          %parallel_loop3A_153 = arith.index_cast %parallel_loop3A_146 : i32 to index
          %parallel_loop3A_154 = arith.index_cast %parallel_loop3A_152 : i32 to index
          %parallel_loop3A_155 = tpu.vector_load %arg8[%parallel_loop3A_153, %parallel_loop3A_154] {strides = array<i32>} : memref<80x768xf32, #tpu.memory_space<vmem>>, vector<1x16xf32>,
          %parallel_loop3A_156 = vector.shape_cast %parallel_loop3A_155 : vector<1x16xf32> to vector<16xf32>
          %parallel_loop3A_157 = arith.index_cast %parallel_loop3A_146 : i32 to index
          %parallel_loop3A_158 = arith.index_cast %parallel_loop3A_152 : i32 to index
          %parallel_loop3A_159 = tpu.vector_load %arg9[%parallel_loop3A_157, %parallel_loop3A_158] {strides = array<i32>} : memref<80x768xf32, #tpu.memory_space<vmem>>, vector<1x16xf32>,
          %parallel_loop3A_160 = vector.shape_cast %parallel_loop3A_159 : vector<1x16xf32> to vector<16xf32>
          %parallel_loop3A_161 = arith.addf %parallel_loop3A_156, %parallel_loop3A_160 : vector<16xf32>
          %parallel_loop3A_162 = arith.index_cast %parallel_loop3A_146 : i32 to index
          %parallel_loop3A_163 = arith.index_cast %parallel_loop3A_152 : i32 to index
          %parallel_loop3A_164 = tpu.vector_load %arg8[%parallel_loop3A_162, %parallel_loop3A_163] {strides = array<i32>} : memref<80x768xf32, #tpu.memory_space<vmem>>, vector<1x16xf32>,
          %parallel_loop3A_165 = vector.shape_cast %parallel_loop3A_164 : vector<1x16xf32> to vector<16xf32>
          %parallel_loop3A_166 = vector.shape_cast %parallel_loop3A_161 : vector<16xf32> to vector<1x16xf32>
          tpu.vector_store %arg8[%parallel_loop3A_162, %parallel_loop3A_163], %parallel_loop3A_166 {strides = array<i32>} : memref<80x768xf32, #tpu.memory_space<vmem>>, vector<1x16xf32>,
        } {sc.loop_unroll_factor = 16 : i64, sc.parallel_access}
      } {sc.loop_unroll_factor = 1 : i64, sc.parallel_access}
      %dma_start3A_136 = arith.constant 32 : i32
      %dma_start3A_137 = arith.constant 0 : i32
      %dma_start3A_138 = tpu.memref_slice %arg8[%dma_start3A_136, %dma_start3A_137] : memref<80x768xf32, #tpu.memory_space<vmem>> -> memref<48x768xf32, #tpu.memory_space<vmem>>
      %dma_start3A_139 = arith.constant 0 : i32
      %dma_start3A_140 = arith.constant 0 : i32
      %dma_start3A_141 = tpu.memref_slice %arg6[%add3A_76, %dma_start3A_139, %dma_start3A_140] : memref<256x77x768xf32, #tpu.memory_space<hbm>> -> memref<1x77x768xf32, #tpu.memory_space<hbm>>
      %dma_start3A_142 = tpu.memref_squeeze %dma_start3A_141 : memref<1x77x768xf32, #tpu.memory_space<hbm>> -> memref<77x768xf32, #tpu.memory_space<hbm>>
      %dma_start3A_143 = arith.constant 0 : i32
      %dma_start3A_144 = arith.constant 0 : i32
      %dma_start3A_145 = tpu.memref_slice %dma_start3A_142[%dma_start3A_143, %dma_start3A_144] : memref<77x768xf32, #tpu.memory_space<hbm>> -> memref<77x768xf32, #tpu.memory_space<hbm>>
      tpu.enqueue_indirect_dma source(%dma_start3A_138 : memref<48x768xf32, #tpu.memory_space<vmem>>) target(%dma_start3A_145 : memref<77x768xf32, #tpu.memory_space<hbm>>) offsets(%arg11 : memref<48xi32, #tpu.memory_space<vmem>>) semaphore(%arg15 : memref<!tpu.dma_semaphore, #tpu.memory_space<semaphore_mem>>)
    }
    %scan3A_47 = arith.constant 8 : i32
    %add3A_48 = arith.constant 8 : i32
    %add3A_49 = arith.addi %mul3A_2, %add3A_48 : i32
    %sub3A_50 = arith.constant 1 : i32
    %sub3A_51 = arith.subi %add3A_49, %sub3A_50 : i32
    %dma_wait3A = arith.constant 0 : i32
    %dma_wait3A_52 = arith.constant 0 : i32
    %dma_wait3A_53 = tpu.memref_slice %arg8[%dma_wait3A, %dma_wait3A_52] : memref<80x768xf32, #tpu.memory_space<vmem>> -> memref<32x768xf32, #tpu.memory_space<vmem>>
    %dma_wait3A_54 = arith.constant 0 : i32
    %dma_wait3A_55 = arith.constant 0 : i32
    %dma_wait3A_56 = tpu.memref_slice %arg6[%sub3A_51, %dma_wait3A_54, %dma_wait3A_55] : memref<256x77x768xf32, #tpu.memory_space<hbm>> -> memref<1x77x768xf32, #tpu.memory_space<hbm>>
    %dma_wait3A_57 = tpu.memref_squeeze %dma_wait3A_56 : memref<1x77x768xf32, #tpu.memory_space<hbm>> -> memref<77x768xf32, #tpu.memory_space<hbm>>
    %dma_wait3A_58 = arith.constant 0 : i32
    %dma_wait3A_59 = arith.constant 0 : i32
    %dma_wait3A_60 = tpu.memref_slice %dma_wait3A_57[%dma_wait3A_58, %dma_wait3A_59] : memref<77x768xf32, #tpu.memory_space<hbm>> -> memref<77x768xf32, #tpu.memory_space<hbm>>
    tpu.wait_indirect_dma semaphore(%arg14 : memref<!tpu.dma_semaphore, #tpu.memory_space<semaphore_mem>>) src(%dma_wait3A_53 : memref<32x768xf32, #tpu.memory_space<vmem>>) dst(%dma_wait3A_60 : memref<77x768xf32, #tpu.memory_space<hbm>>)
    %add3A_61 = arith.constant 8 : i32
    %add3A_62 = arith.addi %mul3A_2, %add3A_61 : i32
    %sub3A_63 = arith.constant 1 : i32
    %sub3A_64 = arith.subi %add3A_62, %sub3A_63 : i32
    %dma_wait3A_65 = arith.constant 32 : i32
    %dma_wait3A_66 = arith.constant 0 : i32
    %dma_wait3A_67 = tpu.memref_slice %arg8[%dma_wait3A_65, %dma_wait3A_66] : memref<80x768xf32, #tpu.memory_space<vmem>> -> memref<48x768xf32, #tpu.memory_space<vmem>>
    %dma_wait3A_68 = arith.constant 0 : i32
    %dma_wait3A_69 = arith.constant 0 : i32
    %dma_wait3A_70 = tpu.memref_slice %arg6[%sub3A_64, %dma_wait3A_68, %dma_wait3A_69] : memref<256x77x768xf32, #tpu.memory_space<hbm>> -> memref<1x77x768xf32, #tpu.memory_space<hbm>>
    %dma_wait3A_71 = tpu.memref_squeeze %dma_wait3A_70 : memref<1x77x768xf32, #tpu.memory_space<hbm>> -> memref<77x768xf32, #tpu.memory_space<hbm>>
    %dma_wait3A_72 = arith.constant 0 : i32
    %dma_wait3A_73 = arith.constant 0 : i32
    %dma_wait3A_74 = tpu.memref_slice %dma_wait3A_71[%dma_wait3A_72, %dma_wait3A_73] : memref<77x768xf32, #tpu.memory_space<hbm>> -> memref<77x768xf32, #tpu.memory_space<hbm>>
    tpu.wait_indirect_dma semaphore(%arg15 : memref<!tpu.dma_semaphore, #tpu.memory_space<semaphore_mem>>) src(%dma_wait3A_67 : memref<48x768xf32, #tpu.memory_space<vmem>>) dst(%dma_wait3A_74 : memref<77x768xf32, #tpu.memory_space<hbm>>)
    return
  }
}

</mosaic_0001>

<sc_bundles>
// kernel: kernel.3.cloned.1.call-start
scs
__scs_entry_jumppad:
0x0: {  	(pc) =	sbr.rel $0x88, $3  }
0x1: {  	(tag) =	ssettag $0x0;
	lr =	simm.s32 $0x1  }
0x2: {  	[smem:$0x3F9E] =	sst lr;
	_ =	strace $0xD0000000  }
0x3: {  	_ = 	snop  }
0x4: {  	_ = 	snop  }
0x5: {  	_ = 	snop  }
0x6: {  	_ = 	snop  }
0x7: {  	_ = 	snop  }
__scs_overlays_trampoline_lowered:
0x8: {  	[smem:$0x3FAD] =	sst s0  }
0x9: {  	[smem:$0x3FAE] =	sst s1  }
0xa: {  	[smem:$0x3FAF] =	sst s2  }
0xb: {  	[smem:$0x3FB0] =	sst s3  }
0xc: {  	[smem:$0x3FB1] =	sst s4  }
0xd: {  	[smem:$0x3FB2] =	sst s5  }
0xe: {  	[smem:$0x3FB3] =	sst s6  }
0xf: {  	[smem:$0x3FB4] =	sst s7  }
0x10: {  	[smem:$0x3FB5] =	sst s8  }
0x11: {  	[smem:$0x3FB6] =	sst s9;
	s0 =	simm.s32 @!p0 $0x0  }
0x12: {  	s1 =	sld [smem:$0x3F9C];
	s0 =	simm.s32 @p0 $0x1  }
0x13: {  	[smem:$0x3FB7] =	sst s0;
	s0 =	simm.s32 @!p1 $0x0  }
0x14: {  	s2 =	sld [smem:$0x3F9B];
	s0 =	simm.s32 @p1 $0x1  }
0x15: {  	[smem:$0x3FB8] =	sst s0;
	s0 =	simm.s32 @!p2 $0x0  }
0x16: {  	s3 =	sld [smem:$0x3FDB];
	s0 =	simm.s32 @p2 $0x1  }
0x17: {  	s4 =	simm.s32 $0x1BF5;
	[smem:$0x3FBA] =	sst s0  }
0x18: {  	s0 =	sld [smem:$0x3F9D];
	_ =	swait.ge [sflag:s4], $0x0  }
0x19: {  	s7 =	sld [smem:$0x3F9E]  }
0x1a: {  	s8 =	sadd.s32 $0xFFFFE003, lr  }
0x1b: {  	s9 =	sadd.s32 $0xFFFFFEF7, lr;
	s5 =	simm.s32 $0xFFFFFFFF;
	p2 =	slt.u32 s8, $0xFFFFF086  }
0x1c: {  	p1 =	slt.u32 s9, $0xF7A;
	s5 =	simm.s32 @!p2 $0x0  }
0x1d: {  	s5 =	simm.s32 @p1 $0x1;
	p0 =	seq.s32 s7, s2  }
0x1e: {  	s7 =	smul.u32 @!p0 $0xF7A, s2;
	p2 =	seq.s32 @!p0 s5, $0x0  }
0x1f: {  	s9 =	smul.u32 $0xF7A, s1;
	s8 =	simm.s32 @!p0 $0x1BF5;
	p2 =	por !p2, p0  }
0x20: {  	[sflag:s8] =	ssyncset.s32 @!p0 $0xFFFFF086;
	s6 =	sadd.s32 @!p0 s3, s7;
	s7 =	simm.s32 @!p0 $0x108  }
0x21: {  	s3 =	sadd.s32 s3, s9;
	s6 =	sadd.s32 @!p0 $0x88, s6;
	s7 =	simm.s32 @p2 $0x1082  }
0x22: {  	[simem:s7], [sflag:s8] =	dma.local @!p0 [hbm:s6], $0xF7A  }
0x23: {  	s9 =	sor.u32 $0xD0000000, s2;
	s6 =	simm.s32 $0x108;
	_ =	swait.ge @!p0 [sflag:s8], $0x0  }
0x24: {  	s3 =	sadd.s32 $0x88, s3;
	s6 =	simm.s32 @!p1 $0x1082;
	[sflag:s4] =	ssyncset.s32 $0xFFFFF086  }
0x25: {  	[simem:s6], [sflag:s4] =	dma.local [hbm:s3], $0xF7A  }
0x26: {  	[smem:$0x3F9E] =	sst s1;
	(tag) =	ssettag s2;
	_ =	strace s9  }
0x27: {  	s1 =	sld [smem:$0x3FAE]  }
0x28: {  	s2 =	sld [smem:$0x3FAF]  }
0x29: {  	s4 =	sld [smem:$0x3FB1]  }
0x2a: {  	p0 =	seq.s32 s5, $0x0;
	s5 =	sld [smem:$0x3FB2]  }
0x2b: {  	s6 =	sld [smem:$0x3FB3]  }
0x2c: {  	s7 =	sld [smem:$0x3FB4]  }
0x2d: {  	s3 =	simm.s32 $0x108;
	s8 =	sld [smem:$0x3FB5]  }
0x2e: {  	s3 =	simm.s32 @!p0 $0x1082;
	s9 =	sld [smem:$0x3FB6]  }
0x2f: {  	lr =	sadd.s32 s0, s3;
	s0 =	sld [smem:$0x3FAD]  }
0x30: {  	s3 =	sld [smem:$0x3FB0]  }
0x31: {  	[smem:$0x3FB9] =	sst s10  }
0x32: {  	s10 =	sld [smem:$0x3FB7];
	_ =	sdelay $0x3  }
0x33: {  	p0 =	seq.s32 s10, $0x1;
	s10 =	sld [smem:$0x3FB9];
	_ =	sdelay $0x3  }
0x34: {  	[smem:$0x3FB9] =	sst s10  }
0x35: {  	s10 =	sld [smem:$0x3FB8];
	_ =	sdelay $0x3  }
0x36: {  	p1 =	seq.s32 s10, $0x1;
	s10 =	sld [smem:$0x3FB9];
	_ =	sdelay $0x3  }
0x37: {  	[smem:$0x3FB9] =	sst s10  }
0x38: {  	s10 =	sld [smem:$0x3FBA]  }
0x39: {  	_ = 	snop;
	(pc) =	sbr.ind lr, $3  }
0x3a: {  	_ = 	snop  }
0x3b: {  	_ = 	snop  }
0x3c: {  	p2 =	seq.s32 s10, $0x1;
	s10 =	sld [smem:$0x3FB9]  }
0x3d: {  	_ =	shalt  }
0x3e: {  	_ =	shalt  }
0x3f: {  	_ =	shalt  }
0x40: {  	_ =	shalt  }
0x41: {  	_ =	shalt  }
0x42: {  	_ =	shalt  }
0x43: {  	_ =	shalt  }
0x44: {  	_ =	shalt  }
0x45: {  	_ =	shalt  }
0x46: {  	_ =	shalt  }
0x47: {  	_ =	shalt  }
0x48: {  	_ =	shalt  }
0x49: {  	_ =	shalt  }
0x4a: {  	_ =	shalt  }
0x4b: {  	_ =	shalt  }
0x4c: {  	_ =	shalt  }
0x4d: {  	_ =	shalt  }
0x4e: {  	_ =	shalt  }
0x4f: {  	_ =	shalt  }
0x50: {  	_ =	shalt  }
0x51: {  	_ =	shalt  }
0x52: {  	_ =	shalt  }
0x53: {  	_ =	shalt  }
0x54: {  	_ =	shalt  }
0x55: {  	_ =	shalt  }
0x56: {  	_ =	shalt  }
0x57: {  	_ =	shalt  }
0x58: {  	_ =	shalt  }
0x59: {  	_ =	shalt  }
0x5a: {  	_ =	shalt  }
0x5b: {  	_ =	shalt  }
0x5c: {  	_ =	shalt  }
0x5d: {  	_ =	shalt  }
0x5e: {  	_ =	shalt  }
0x5f: {  	_ =	shalt  }
0x60: {  	_ =	shalt  }
0x61: {  	_ =	shalt  }
0x62: {  	_ =	shalt  }
0x63: {  	_ =	shalt  }
0x64: {  	_ =	shalt  }
0x65: {  	_ =	shalt  }
0x66: {  	_ =	shalt  }
0x67: {  	_ =	shalt  }
0x68: {  	_ =	shalt  }
0x69: {  	_ =	shalt  }
0x6a: {  	_ =	shalt  }
0x6b: {  	_ =	shalt  }
0x6c: {  	_ =	shalt  }
0x6d: {  	_ =	shalt  }
0x6e: {  	_ =	shalt  }
0x6f: {  	_ =	shalt  }
0x70: {  	_ =	shalt  }
0x71: {  	_ =	shalt  }
0x72: {  	_ =	shalt  }
0x73: {  	_ =	shalt  }
0x74: {  	_ =	shalt  }
0x75: {  	_ =	shalt  }
0x76: {  	_ =	shalt  }
0x77: {  	_ =	shalt  }
0x78: {  	_ =	shalt  }
0x79: {  	_ =	shalt  }
0x7a: {  	_ =	shalt  }
0x7b: {  	_ =	shalt  }
0x7c: {  	_ =	shalt  }
0x7d: {  	_ =	shalt  }
0x7e: {  	_ =	shalt  }
0x7f: {  	_ =	shalt  }
0x80: {  	_ =	shalt  }
0x81: {  	_ =	shalt  }
0x82: {  	_ =	shalt  }
0x83: {  	_ =	shalt  }
0x84: {  	_ =	shalt  }
0x85: {  	_ =	shalt  }
0x86: {  	_ =	shalt  }
0x87: {  	_ =	shalt  }
.Lfunc_end0:
.L_simem_size_0:
called_computation_lowered:
.L_overlay_start_0:
0x88: {  	s2 =	sld [smem:$0x3FD9]  }
0x89: {  	s3 =	sld [smem:$0x3FFE];
	_ =	sdelay $0x1  }
0x8a: {  	s1 =	srdreg.scid  }
0x8b: {  	s0 =	sand.u32 $0x1, s1  }
0x8c: {  	s17 =	sshll.u32 s0, $0xA;
	s2 =	sadd.s32 s3, s2  }
0x8d: {  	s2 =	sadd.s32 s2, s17  }
0x8e: {  	[smem:$0x3FC5] =	sst s2  }
0x8f: {  	_ = 	snop  }
0x90: {  	s2 =	sld [smem:$0x3FC8]  }
0x91: {  	s18 =	sld [smem:$0x3FC7]  }
0x92: {  	s4 =	sld [smem:$0x3FD0];
	(tm) =	ssettm $0x1  }
0x93: {  	s5 =	sld [smem:$0x3FFB];
	_ =	sdelay $0x3  }
0x94: {  	_ =	strace s5  }
0x95: {  	s5 =	sld [smem:$0x3FFC];
	_ =	sdelay $0x3  }
0x96: {  	_ =	strace s5  }
0x97: {  	s5 =	sld [smem:$0x3FFD];
	_ =	sdelay $0x3  }
0x98: {  	_ =	strace s5  }
0x99: {  	_ =	strace $0x8FFFFFFF  }
0x9a: {  	s19 =	sld [smem:$0x3FDB];
	_ =	sdelay $0x1  }
0x9b: {  	s6 =	simm.s32 $_scs_section_size  }
0x9c: {  	s7 =	simm.s32 $_size__tile_overlayer_lowered;
	s8 =	simm.s32 $_tile_overlayer_lowered  }
0x9d: {  	s22 =	simm.s32 $0x1BFF;
	s21 =	sshll.u32 s8, $0x1;
	s5 =	sadd.s32 s6, s19  }
0x9e: {  	s9 =	simm.s32 $0x0;
	s20 =	sshll.u32 s7, $0x1;
	s7 =	sadd.s32 s21, s5  }
0x9f: {  	[timem:s9], [sflag:s22] =	dma.local [hbm:s7], s20  }
0xa0: {  	_ =	swait.ge [sflag:s22], s20  }
0xa1: {  	s6 =	ssub.s32 $0x0, s20;
	[sflag:s22] =	ssyncset.done $0x0  }
0xa2: {  	[sflag:s22] =	ssyncadd.s32 s6;
	_ =	sdelay $0x1  }
0xa3: {  	s23 =	simm.s32 $0x1B8B  }
0xa4: {  	_ =	swait.ge [sflag:s23], $0x1  }
0xa5: {  	[sflag:s23] =	ssyncset.done $0x0  }
0xa6: {  	s25 =	simm.s32 $0x1B8E;
	s24 =	sld [smem:$0x3FFE];
	[sflag:s23] =	ssyncadd.s32 $0xFFFFFFFF  }
0xa7: {  	s26 =	simm.s32 $execute0_lowered;
	[smem:$0x3FD2] =	sst s25  }
0xa8: {  	s7 =	sshll.u32 s26, $0x1;
	_ =	strace $0x80000046;
	[dreg:$0x1] =	wrdreg $0xFFFFFFFF  }
0xa9: {  	s28 =	simm.s32 $_size_execute0_lowered;
	s5 =	sadd.s32 s5, s7;
	[dreg:$0x0] =	wrdreg $0x0  }
0xaa: {  	s7 =	sshll.u32 s28, $0x1;
	[dreg:$0x2] =	wrdreg s5  }
0xab: {  	[dreg:$0x3] =	wrdreg s7  }
0xac: {  	[dreg:$0x4] =	wrdreg $0xC0  }
0xad: {  	_ =	task [dreg:s9], $0x5FFFF  }
0xae: {  	[dreg:$0x1] =	wrdreg $0xFFFFFFFF  }
0xaf: {  	[dreg:$0x0] =	wrdreg $0x60  }
0xb0: {  	[dreg:$0x2] =	wrdreg s4  }
0xb1: {  	[dreg:$0x3] =	wrdreg s2  }
0xb2: {  	[dreg:$0x4] =	wrdreg s18  }
0xb3: {  	[dreg:$0x5] =	wrdreg s24  }
0xb4: {  	[dreg:$0x6] =	wrdreg $0x9  }
0xb5: {  	_ =	task.clear_ibuf [dreg:s9], $0x7FFFF;
	_ =	strace $0x90000046  }
0xb6: {  	s29 =	simm.s32 $0x9;
	_ =	strace $0x80000048  }
0xb7: {  	_ =	swait.ge [sflag:s29], $0x1  }
0xb8: {  	[sflag:s29] =	ssyncadd.s32 $0xFFFFFFFF  }
0xb9: {  	_ =	strace $0x90000048  }
0xba: {  	_ =	sfence  }
0xbb: {  	s30 =	sld [smem:$0x0];
	_ =	sdelay $0x2  }
0xbc: {  	s31 =	sshll.u32 s1, $0xD;
	s1 =	sshrl.u32 s1, $0x2  }
0xbd: {  	s3 =	sand.u32 $0x4000, s31;
	s1 =	sadd.s32 s1, s30  }
0xbe: {  	s0 =	sor.u32 s3, s0;
	s1 =	sshll.u32 s1, $0x11  }
0xbf: {  	s0 =	sor.u32 s1, s0  }
0xc0: {  	s0 =	sadd.s32 $0x8F2B, s0  }
0xc1: {  	[sflag:s0] =	ssyncadd.remote.s32 $0x1  }
0xc2: {  	_ =	sfence.sel $0xFFFF  }
0xc3: {  	[dreg:$0x0] =	wrdreg $0xFFFFFFFF;
	(pc) =	sbr.abs _section_cstart, $3  }
0xc4: {  	[dreg:$0x1] =	wrdreg $0xFFFFFFFF  }
0xc5: {  	_ =	task.clear_ibuf [dreg:s9], $0x2FFFF;
	_ =	strace $0x9FFFFFFF  }
0xc6: {  	(tm) =	ssettm $0x7FFFFFFF  }
0xc7: {  	_ =	shalt  }
tec
execute0_lowered:
.L_overlay_start_1:
0x0: {  	(tag) =	ssettag $0x1  }
0x1: {  	s0 =	rddreg [dreg:$0x0]  }
0x2: {  	s1 =	rddreg [dreg:$0x1]  }
0x3: {  	s2 =	rddreg [dreg:$0x3];
	s4 =	simm.s32 $0x0;
	s3 =	srdreg.scid  }
0x4: {  	s5 =	stileid.u32;
	s29 =	simm.s32 $0x280;
	s30 =	simm.s32 $0xA80  }
0x5: {  	s31 =	simm.s32 $0x7A80;
	s12 =	simm.s32 $0x9A80;
	s14 =	simm.s32 $0xA280  }
0x6: {  	s8 =	simm.s32 $0xB280;
	s11 =	simm.s32 $0xBA80;
	s13 =	simm.s32 $0xC280  }
0x7: {  	s15 =	simm.s32 $0xDA80;
	s16 =	simm.s32 $0xE280;
	s17 =	simm.s32 $0xEA80  }
0x8: {  	s18 =	simm.s32 $0x1;
	s19 =	simm.s32 $0x2;
	s22 =	simm.s32 $0x0  }
0x9: {  	[smem:$0x7FF] =	sst s4;
	s3 =	sand.u32 $0x1, s3;
	s5 =	sshll.u32 s5, $0x1  }
0xa: {  	s24 =	sadd.s32 $0x400, s2;
	s2 =	sadd.s32 $0x800, s2;
	s9 =	sadd.s32 $0x100, s1  }
0xb: {  	s10 =	sadd.s32 $0x200, s1;
	_ =	strace $0x80000047;
	[dreg:$0x5] =	wrdreg s24  }
0xc: {  	v1 =	vimm.s32 $0x4B4A4948;
	v2 =	vimm.s32 $0x4C4B4A4C;
	v3 =	vimm.s32 $0x43424140;
	s6 =	ssub.s32 $0x2, s3;
	s3 =	sor.u32 s3, s5;
	[dreg:$0x6] =	wrdreg s2  }
0xd: {  	v0 =	vlaneseq.u32;
	v4 =	vunpack.c.0.s8.s32 v1;
	v1 =	vimm.s32 $0x47464544;
	s24 =	simm.s32 $0x6280;
	s2 =	simm.s32 $0x9280;
	s5 =	simm.s32 $0xAA80  }
0xe: {  	v5 =	vunpack.c.0.s8.s32 v2;
	v6 =	vunpack.c.0.s8.s32 v3;
	v7 =	vunpack.c.0.s8.s32 v1;
	s25 =	sshrl.u32 s6, $0x1;
	s7 =	smul.u32 $0x50, s3;
	s3 =	sshll.u32 s3, $0x3  }
0xf: {  	vm0 =	vcmask $0x1F10;
	v2 =	vor.u32 $0x20, v0;
	v3 =	vor.u32 $0x30, v0;
	s26 =	ssub.s32 s6, s25;
	[dreg:$0x7] =	wrdreg s3;
	s25 =	simm.s32 $0x6A80  }
0x10: {  	v1 =	vor.u32 $0x10, v0;
	v4 =	vsel vm0, v5, v4;
	s3 =	simm.s32 $0x8A80;
	s6 =	simm.s32 $0xCA80;
	v5 =	vsel vm0, v7, v6;
	s0 =	sadd.s32 s0, s7  }
0x11: {  	v6 =	vshrl.u32 v0, $0x3;
	vm0 =	vmmov $0xffff;
	v7 =	vor.u32 $0x8, v0;
	s28 =	smax.u32 s26, $0x1;
	s26 =	simm.s32 $0x7280;
	[dreg:$0x8] =	wrdreg s0  }
0x12: {  	s7 =	simm.s32 $0xD280;
	v4 =	vcombine.low v5, v4;
	v5 =	vand.u32 $0x7, v0;
	v6 =	vmul.u32 $0x8, v6;
	[dreg:$0x9] =	wrdreg s28;
	s0 =	simm.s32 $0x8280  }
.LBB2_1:
0x13: {  	[tilespmem:$0x1E280] =	vst v0  }
0x14: {  	[tilespmem:$0x1E290] =	vst v1  }
0x15: {  	[tilespmem:$0x1E300] =	vst v2  }
0x16: {  	[tilespmem:$0x1E310] =	vst v3  }
0x17: {  	s20 =	rddreg [dreg:$0x2];
	s21 =	simm.s32 $0xF280;
	[tilespmem:$0x1E320] =	vst v4  }
0x18: {  	[tilespmem:s21], [sflag:$0x5] =	stream.linear.gather [hbm4b:s20+s4], $0xD800, $0x38;
	[tilespmem:$0x1E380] =	vst v63  }
0x19: {  	[dreg:$0xa] =	wrdreg s22;
	s21 =	simm.s32 $0x5  }
0x1a: {  	_ =	swait.ge [sflag:s21], $0xD800  }
0x1b: {  	[sflag:s21] =	ssyncset.done $0x0  }
0x1c: {  	s23 =	simm.s32 $0x1CA80;
	s22 =	rddreg [dreg:$0x5];
	[sflag:s21] =	ssyncadd.s32 $0xFFFF2800  }
0x1d: {  	[tilespmem:s23], [sflag:$0x5] =	stream.linear.gather [hbm4b:s22+s4], $0x1800, $0x38;
	[tilespmem:$0x1E380] =	vst v63  }
0x1e: {  	_ =	swait.ge [sflag:s21], $0x1800  }
0x1f: {  	[sflag:s21] =	ssyncset.done $0x0  }
0x20: {  	s28 =	rddreg [dreg:$0x8];
	[sflag:s21] =	ssyncadd.s32 $0xFFFFE800  }
0x21: {  	[tilespmem:s4], [sflag:$0x5] =	stream.linear.gather [hbm4b:s28+s4], $0x280, $0x38;
	[tilespmem:$0x1E380] =	vst v63  }
0x22: {  	_ =	swait.ge [sflag:s21], $0x280  }
0x23: {  	[sflag:s21] =	ssyncset.done $0x0  }
0x24: {  	s20 =	simm.s32 $0x0;
	[sflag:s21] =	ssyncadd.s32 $0xFFFFFD80  }
.LBB2_2:
0x25: {  	p0 =	seq.s32 s20, $0x0  }
0x26: {  	s21 =	simm.s32 @!p0 $0x3  }
0x27: {  	s22 =	smul.u32 $0x140, s20;
	_ =	swait.ge @!p0 [sflag:s21], $0x6000  }
0x28: {  	[sflag:s21] =	ssyncset.done @!p0 $0x0  }
0x29: {  	s22 =	sshra.s32 s22, $0x2;
	[sflag:s21] =	ssyncadd.s32 @!p0 $0xFFFFA000  }
0x2a: {  	v8 =	vld [tilespmem:s22+$0x0];
	_ =	sdelay $0x4  }
0x2b: {  	v9 =	vshrl.u32 v8, $0x3  }
0x2c: {  	v9 =	vmul.u32 $0x30, v9  }
0x2d: {  	v8 =	vand.u32 $0x7, v8  }
0x2e: {  	v8 =	vor.u32 v8, v9  }
0x2f: {  	v9 =	vperm.xlane v8, v5;
	_ =	sdelay $0x1  }
0x30: {  	v9 =	vadd.s32 v6, v9;
	_ =	sdelay $0x3  }
0x31: {  	v8 =	vperm.xlane v8, v7  }
0x32: {  	[tilespmem:s29], [sflag:$0x1] =	stream.indirect_vreg.gather [hbm4b:s1+s4], $0x80, v9, vm0, $0xb8;
	[tilespmem:$0x1E380] =	vst v63  }
0x33: {  	v8 =	vadd.s32 v6, v8  }
0x34: {  	[tilespmem:s30], [sflag:$0x1] =	stream.indirect_vreg.gather [hbm4b:s9+s4], $0x80, v9, vm0, $0xb8;
	[tilespmem:$0x1E380] =	vst v63  }
0x35: {  	s28 =	simm.s32 $0x1280  }
0x36: {  	[tilespmem:s28], [sflag:$0x1] =	stream.indirect_vreg.gather [hbm4b:s10+s4], $0x80, v9, vm0, $0xb8;
	[tilespmem:$0x1E380] =	vst v63  }
0x37: {  	s23 =	simm.s32 $0x1A80  }
0x38: {  	[tilespmem:s23], [sflag:$0x1] =	stream.indirect_vreg.gather [hbm4b:s1+s4], $0x80, v8, vm0, $0xb8;
	[tilespmem:$0x1E380] =	vst v63  }
0x39: {  	s28 =	simm.s32 $0x2280  }
0x3a: {  	[tilespmem:s28], [sflag:$0x1] =	stream.indirect_vreg.gather [hbm4b:s9+s4], $0x80, v8, vm0, $0xb8;
	[tilespmem:$0x1E380] =	vst v63  }
0x3b: {  	s23 =	simm.s32 $0x2A80  }
0x3c: {  	[tilespmem:s23], [sflag:$0x1] =	stream.indirect_vreg.gather [hbm4b:s10+s4], $0x80, v8, vm0, $0xb8;
	[tilespmem:$0x1E380] =	vst v63  }
0x3d: {  	v8 =	vld [tilespmem:s22+$0x10];
	_ =	sdelay $0x4  }
0x3e: {  	v60 =	vshrl.u32 v8, $0x3  }
0x3f: {  	v9 =	vmul.u32 $0x30, v60  }
0x40: {  	v8 =	vand.u32 $0x7, v8  }
0x41: {  	v8 =	vor.u32 v8, v9  }
0x42: {  	v9 =	vperm.xlane v8, v5;
	_ =	sdelay $0x1  }
0x43: {  	v9 =	vadd.s32 v6, v9;
	_ =	sdelay $0x3  }
0x44: {  	s28 =	simm.s32 $0x3280;
	v8 =	vperm.xlane v8, v7  }
0x45: {  	[tilespmem:s28], [sflag:$0x1] =	stream.indirect_vreg.gather [hbm4b:s1+s4], $0x80, v9, vm0, $0xb8;
	[tilespmem:$0x1E380] =	vst v63  }
0x46: {  	s23 =	simm.s32 $0x3A80;
	v8 =	vadd.s32 v6, v8  }
0x47: {  	[tilespmem:s23], [sflag:$0x1] =	stream.indirect_vreg.gather [hbm4b:s9+s4], $0x80, v9, vm0, $0xb8;
	[tilespmem:$0x1E380] =	vst v63  }
0x48: {  	s28 =	simm.s32 $0x4280  }
0x49: {  	[tilespmem:s28], [sflag:$0x1] =	stream.indirect_vreg.gather [hbm4b:s10+s4], $0x80, v9, vm0, $0xb8;
	[tilespmem:$0x1E380] =	vst v63  }
0x4a: {  	s23 =	simm.s32 $0x4A80  }
0x4b: {  	[tilespmem:s23], [sflag:$0x1] =	stream.indirect_vreg.gather [hbm4b:s1+s4], $0x80, v8, vm0, $0xb8;
	[tilespmem:$0x1E380] =	vst v63  }
0x4c: {  	s28 =	simm.s32 $0x5280  }
0x4d: {  	[tilespmem:s28], [sflag:$0x1] =	stream.indirect_vreg.gather [hbm4b:s9+s4], $0x80, v8, vm0, $0xb8;
	[tilespmem:$0x1E380] =	vst v63  }
0x4e: {  	s21 =	simm.s32 @!p0 $0x4;
	s23 =	simm.s32 $0x5A80  }
0x4f: {  	[tilespmem:s23], [sflag:$0x1] =	stream.indirect_vreg.gather [hbm4b:s10+s4], $0x80, v8, vm0, $0xb8;
	[tilespmem:$0x1E380] =	vst v63  }
0x50: {  	_ =	swait.ge @!p0 [sflag:s21], $0x9000  }
0x51: {  	[sflag:s21] =	ssyncset.done @!p0 $0x0  }
0x52: {  	[sflag:s21] =	ssyncadd.s32 @!p0 $0xFFFF7000  }
0x53: {  	v8 =	vld [tilespmem:s22+$0x20];
	_ =	sdelay $0x4  }
0x54: {  	v61 =	vshrl.u32 v8, $0x3  }
0x55: {  	v9 =	vmul.u32 $0x30, v61  }
0x56: {  	v8 =	vand.u32 $0x7, v8  }
0x57: {  	v8 =	vor.u32 v8, v9  }
0x58: {  	v9 =	vperm.xlane v8, v5;
	_ =	sdelay $0x1  }
0x59: {  	v9 =	vadd.s32 v6, v9;
	_ =	sdelay $0x3  }
0x5a: {  	s21 =	simm.s32 $0x0;
	v8 =	vperm.xlane v8, v7  }
0x5b: {  	[tilespmem:s24], [sflag:$0x2] =	stream.indirect_vreg.gather [hbm4b:s1+s21], $0x80, v9, vm0, $0xb8;
	[tilespmem:$0x1E380] =	vst v63  }
0x5c: {  	v8 =	vadd.s32 v6, v8  }
0x5d: {  	[tilespmem:s25], [sflag:$0x2] =	stream.indirect_vreg.gather [hbm4b:s9+s21], $0x80, v9, vm0, $0xb8;
	[tilespmem:$0x1E380] =	vst v63  }
0x5e: {  	_ = 	snop  }
0x5f: {  	[tilespmem:s26], [sflag:$0x2] =	stream.indirect_vreg.gather [hbm4b:s10+s21], $0x80, v9, vm0, $0xb8;
	[tilespmem:$0x1E380] =	vst v63  }
0x60: {  	_ = 	snop  }
0x61: {  	[tilespmem:s31], [sflag:$0x2] =	stream.indirect_vreg.gather [hbm4b:s1+s21], $0x80, v8, vm0, $0xb8;
	[tilespmem:$0x1E380] =	vst v63  }
0x62: {  	_ = 	snop  }
0x63: {  	[tilespmem:s0], [sflag:$0x2] =	stream.indirect_vreg.gather [hbm4b:s9+s21], $0x80, v8, vm0, $0xb8;
	[tilespmem:$0x1E380] =	vst v63  }
0x64: {  	_ = 	snop  }
0x65: {  	[tilespmem:s3], [sflag:$0x2] =	stream.indirect_vreg.gather [hbm4b:s10+s21], $0x80, v8, vm0, $0xb8;
	[tilespmem:$0x1E380] =	vst v63  }
0x66: {  	v8 =	vld [tilespmem:s22+$0x30];
	_ =	sdelay $0x4  }
0x67: {  	v62 =	vshrl.u32 v8, $0x3  }
0x68: {  	v9 =	vmul.u32 $0x30, v62  }
0x69: {  	v8 =	vand.u32 $0x7, v8  }
0x6a: {  	v8 =	vor.u32 v8, v9  }
0x6b: {  	v9 =	vperm.xlane v8, v5;
	_ =	sdelay $0x1  }
0x6c: {  	v9 =	vadd.s32 v6, v9;
	_ =	sdelay $0x3  }
0x6d: {  	v8 =	vperm.xlane v8, v7  }
0x6e: {  	[tilespmem:s2], [sflag:$0x2] =	stream.indirect_vreg.gather [hbm4b:s1+s21], $0x80, v9, vm0, $0xb8;
	[tilespmem:$0x1E380] =	vst v63  }
0x6f: {  	v8 =	vadd.s32 v6, v8  }
0x70: {  	[tilespmem:s12], [sflag:$0x2] =	stream.indirect_vreg.gather [hbm4b:s9+s21], $0x80, v9, vm0, $0xb8;
	[tilespmem:$0x1E380] =	vst v63  }
0x71: {  	_ = 	snop  }
0x72: {  	[tilespmem:s14], [sflag:$0x2] =	stream.indirect_vreg.gather [hbm4b:s10+s21], $0x80, v9, vm0, $0xb8;
	[tilespmem:$0x1E380] =	vst v63  }
0x73: {  	_ = 	snop  }
0x74: {  	[tilespmem:s5], [sflag:$0x2] =	stream.indirect_vreg.gather [hbm4b:s1+s21], $0x80, v8, vm0, $0xb8;
	[tilespmem:$0x1E380] =	vst v63  }
0x75: {  	_ = 	snop  }
0x76: {  	[tilespmem:s8], [sflag:$0x2] =	stream.indirect_vreg.gather [hbm4b:s9+s21], $0x80, v8, vm0, $0xb8;
	[tilespmem:$0x1E380] =	vst v63  }
0x77: {  	_ = 	snop  }
0x78: {  	[tilespmem:s11], [sflag:$0x2] =	stream.indirect_vreg.gather [hbm4b:s10+s21], $0x80, v8, vm0, $0xb8;
	[tilespmem:$0x1E380] =	vst v63  }
0x79: {  	v8 =	vld [tilespmem:s22+$0x40];
	_ =	sdelay $0x4  }
0x7a: {  	v63 =	vshrl.u32 v8, $0x3  }
0x7b: {  	v9 =	vmul.u32 $0x30, v63  }
0x7c: {  	v8 =	vand.u32 $0x7, v8  }
0x7d: {  	v8 =	vor.u32 v8, v9  }
0x7e: {  	v9 =	vperm.xlane v8, v5;
	_ =	sdelay $0x1  }
0x7f: {  	v9 =	vadd.s32 v6, v9;
	_ =	sdelay $0x3  }
0x80: {  	v8 =	vperm.xlane v8, v7  }
0x81: {  	[tilespmem:s13], [sflag:$0x2] =	stream.indirect_vreg.gather [hbm4b:s1+s21], $0x80, v9, vm0, $0xb8;
	[tilespmem:$0x1E380] =	vst v63  }
0x82: {  	v8 =	vadd.s32 v6, v8  }
0x83: {  	[tilespmem:s6], [sflag:$0x2] =	stream.indirect_vreg.gather [hbm4b:s9+s21], $0x80, v9, vm0, $0xb8;
	[tilespmem:$0x1E380] =	vst v63  }
0x84: {  	_ = 	snop  }
0x85: {  	[tilespmem:s7], [sflag:$0x2] =	stream.indirect_vreg.gather [hbm4b:s10+s21], $0x80, v9, vm0, $0xb8;
	[tilespmem:$0x1E380] =	vst v63  }
0x86: {  	_ = 	snop  }
0x87: {  	[tilespmem:s15], [sflag:$0x2] =	stream.indirect_vreg.gather [hbm4b:s1+s21], $0x80, v8, vm0, $0xb8;
	[tilespmem:$0x1E380] =	vst v63  }
0x88: {  	_ = 	snop  }
0x89: {  	[tilespmem:s16], [sflag:$0x2] =	stream.indirect_vreg.gather [hbm4b:s9+s21], $0x80, v8, vm0, $0xb8;
	[tilespmem:$0x1E380] =	vst v63  }
0x8a: {  	_ = 	snop  }
0x8b: {  	[tilespmem:s17], [sflag:$0x2] =	stream.indirect_vreg.gather [hbm4b:s10+s21], $0x80, v8, vm0, $0xb8;
	[tilespmem:$0x1E380] =	vst v63  }
0x8c: {  	_ =	swait.ge [sflag:s18], $0x6000  }
0x8d: {  	[sflag:s18] =	ssyncset.done $0x0;
	s28 =	rddreg [dreg:$0x7]  }
0x8e: {  	s23 =	simm.s32 $0x0;
	s22 =	sadd.s32 s28, s20;
	[sflag:s18] =	ssyncadd.s32 $0xFFFFA000  }
.LBB2_3:
0x8f: {  	s24 =	sshrl.u32 s23, $0x3  }
0x90: {  	s25 =	sand.u32 $0x7, s21;
	s24 =	smul.u32 $0x6000, s24  }
0x91: {  	s25 =	sshll.u32 s25, $0x9  }
0x92: {  	s24 =	sor.u32 s25, s24  }
0x93: {  	s25 =	sshra.s32 s24, $0x2  }
0x94: {  	s24 =	sadd.s32 $0x680, s25  }
0x95: {  	s25 =	sadd.s32 $0xF680, s25;
	v9 =	vld [tilespmem:s24+$0x70]  }
0x96: {  	v10 =	vld [tilespmem:s25+$0x70]  }
0x97: {  	v8 =	vld [tilespmem:s25+$0xFFFFFC00]  }
0x98: {  	v11 =	vld [tilespmem:s24+$0xFFFFFC10]  }
0x99: {  	v12 =	vld [tilespmem:s25+$0xFFFFFC10]  }
0x9a: {  	v13 =	vld [tilespmem:s24+$0xFFFFFC20]  }
0x9b: {  	v14 =	vld [tilespmem:s25+$0xFFFFFC20]  }
0x9c: {  	v15 =	vld [tilespmem:s24+$0xFFFFFC30]  }
0x9d: {  	v16 =	vld [tilespmem:s25+$0xFFFFFC30]  }
0x9e: {  	v17 =	vld [tilespmem:s24+$0xFFFFFC40]  }
0x9f: {  	v18 =	vld [tilespmem:s25+$0xFFFFFC40]  }
0xa0: {  	v19 =	vld [tilespmem:s24+$0xFFFFFC50]  }
0xa1: {  	v20 =	vld [tilespmem:s25+$0xFFFFFC50]  }
0xa2: {  	v21 =	vld [tilespmem:s24+$0xFFFFFC60]  }
0xa3: {  	v22 =	vld [tilespmem:s25+$0xFFFFFC60]  }
0xa4: {  	v23 =	vld [tilespmem:s24+$0xFFFFFC70]  }
0xa5: {  	v24 =	vld [tilespmem:s25+$0xFFFFFC70]  }
0xa6: {  	v25 =	vld [tilespmem:s24+$0x0]  }
0xa7: {  	v60 =	vld [tilespmem:s24+$0x30];
	v9 =	vadd.f32 v10, v9  }
0xa8: {  	v10 =	vld [tilespmem:s25+$0x0];
	v11 =	vadd.f32 v12, v11  }
0xa9: {  	v12 =	vld [tilespmem:s24+$0x10];
	[tilespmem:s24+$0x70] =	vst v9;
	v9 =	vadd.f32 v14, v13  }
0xaa: {  	v13 =	vld [tilespmem:s25+$0x10];
	[tilespmem:s24+$0xFFFFFC10] =	vst v11;
	v11 =	vadd.f32 v16, v15  }
0xab: {  	v14 =	vld [tilespmem:s24+$0x20];
	[tilespmem:s24+$0xFFFFFC20] =	vst v9;
	v9 =	vadd.f32 v18, v17  }
0xac: {  	v15 =	vld [tilespmem:s25+$0x20];
	[tilespmem:s24+$0xFFFFFC30] =	vst v11;
	v11 =	vadd.f32 v20, v19  }
0xad: {  	v61 =	vld [tilespmem:s25+$0x30];
	v10 =	vadd.f32 v10, v25;
	[tilespmem:s24+$0xFFFFFC40] =	vst v9  }
0xae: {  	v62 =	vld [tilespmem:s24+$0x40];
	v9 =	vadd.f32 v22, v21;
	[tilespmem:s24+$0xFFFFFC50] =	vst v11  }
0xaf: {  	v63 =	vld [tilespmem:s25+$0x40];
	v11 =	vadd.f32 v24, v23;
	[tilespmem:s24+$0x0] =	vst v10  }
0xb0: {  	v12 =	vadd.f32 v13, v12;
	[tilespmem:s24+$0xFFFFFC60] =	vst v9;
	v9 =	vld [tilespmem:s24+$0x50]  }
0xb1: {  	v13 =	vadd.f32 v15, v14;
	[tilespmem:s24+$0xFFFFFC70] =	vst v11;
	v11 =	vld [tilespmem:s25+$0x50]  }
0xb2: {  	v14 =	vadd.f32 v61, v60;
	v10 =	vld [tilespmem:s24+$0x60];
	[tilespmem:s24+$0x10] =	vst v12  }
0xb3: {  	[tilespmem:s24+$0x20] =	vst v13;
	v13 =	vld [tilespmem:s25+$0x60]  }
0xb4: {  	s26 =	simm.s32 $0x0;
	s28 =	sadd.s32 $0x800, s24;
	v12 =	vld [tilespmem:s24+$0xFFFFFC00];
	[tilespmem:s24+$0x30] =	vst v14;
	v14 =	vadd.f32 v63, v62  }
.LBB2_4:
0xb5: {  	v15 =	vld [tilespmem:s28+$0x70];
	s25 =	sadd.s32 $0x800, s25  }
0xb6: {  	s26 =	sadd.s32 $0x10, s26;
	v16 =	vld [tilespmem:s25+$0x70];
	[tilespmem:s24+$0x40] =	vst v14;
	v9 =	vadd.f32 v11, v9  }
0xb7: {  	p0 =	slt.u32 s26, $0x20;
	v11 =	vld [tilespmem:s25+$0xFFFFFC00]  }
0xb8: {  	v14 =	vld [tilespmem:s28+$0xFFFFFC10];
	[tilespmem:s24+$0x50] =	vst v9;
	v9 =	vadd.f32 v13, v10  }
0xb9: {  	v10 =	vld [tilespmem:s25+$0xFFFFFC10];
	v17 =	vadd.f32 v8, v12  }
0xba: {  	v12 =	vld [tilespmem:s28+$0xFFFFFC20];
	[tilespmem:s24+$0x60] =	vst v9  }
0xbb: {  	v9 =	vld [tilespmem:s25+$0xFFFFFC20];
	v13 =	vadd.f32 v16, v15;
	[tilespmem:s24+$0xFFFFFC00] =	vst v17;
	s24 =	smov.u32 s28  }
0xbc: {  	v15 =	vld [tilespmem:s28+$0xFFFFFC30];
	v8 =	vmov v11  }
0xbd: {  	v11 =	vld [tilespmem:s25+$0xFFFFFC30];
	[tilespmem:s28+$0x70] =	vst v13  }
0xbe: {  	v10 =	vadd.f32 v10, v14;
	v13 =	vld [tilespmem:s28+$0xFFFFFC40]  }
0xbf: {  	v14 =	vld [tilespmem:s25+$0xFFFFFC40]  }
0xc0: {  	[tilespmem:s28+$0xFFFFFC10] =	vst v10;
	v9 =	vadd.f32 v9, v12;
	v10 =	vld [tilespmem:s28+$0xFFFFFC50]  }
0xc1: {  	v12 =	vld [tilespmem:s25+$0xFFFFFC50]  }
0xc2: {  	[tilespmem:s28+$0xFFFFFC20] =	vst v9;
	v9 =	vadd.f32 v11, v15;
	v11 =	vld [tilespmem:s28+$0xFFFFFC60]  }
0xc3: {  	v15 =	vld [tilespmem:s25+$0xFFFFFC60]  }
0xc4: {  	[tilespmem:s28+$0xFFFFFC30] =	vst v9;
	v9 =	vadd.f32 v14, v13;
	v13 =	vld [tilespmem:s28+$0xFFFFFC70]  }
0xc5: {  	v14 =	vld [tilespmem:s25+$0xFFFFFC70]  }
0xc6: {  	[tilespmem:s28+$0xFFFFFC40] =	vst v9;
	v9 =	vadd.f32 v12, v10;
	v10 =	vld [tilespmem:s28+$0x0]  }
0xc7: {  	v12 =	vld [tilespmem:s25+$0x0]  }
0xc8: {  	[tilespmem:s28+$0xFFFFFC50] =	vst v9;
	v9 =	vadd.f32 v15, v11;
	v11 =	vld [tilespmem:s28+$0x10]  }
0xc9: {  	v15 =	vld [tilespmem:s25+$0x10]  }
0xca: {  	[tilespmem:s28+$0xFFFFFC60] =	vst v9;
	v9 =	vadd.f32 v14, v13;
	v13 =	vld [tilespmem:s28+$0x20]  }
0xcb: {  	v14 =	vld [tilespmem:s25+$0x20]  }
0xcc: {  	[tilespmem:s28+$0xFFFFFC70] =	vst v9;
	v9 =	vadd.f32 v12, v10;
	v10 =	vld [tilespmem:s28+$0x30]  }
0xcd: {  	v12 =	vld [tilespmem:s25+$0x30]  }
0xce: {  	[tilespmem:s28+$0x0] =	vst v9;
	v9 =	vadd.f32 v15, v11;
	v15 =	vld [tilespmem:s28+$0x40]  }
0xcf: {  	v16 =	vld [tilespmem:s25+$0x40]  }
.Ltmp0:
0xd0: {  	[tilespmem:s28+$0x10] =	vst v9;
	v13 =	vadd.f32 v14, v13;
	v9 =	vld [tilespmem:s28+$0x50];
	(pc) =	sbr.rel @p0 .LBB2_4-.Ltmp0, $4  }
0xd1: {  	v11 =	vld [tilespmem:s25+$0x50]  }
0xd2: {  	[tilespmem:s28+$0x20] =	vst v13;
	v14 =	vadd.f32 v12, v10;
	v10 =	vld [tilespmem:s28+$0x60]  }
0xd3: {  	v13 =	vld [tilespmem:s25+$0x60]  }
0xd4: {  	s28 =	sadd.s32 $0x800, s28;
	v12 =	vld [tilespmem:s24+$0xFFFFFC00];
	[tilespmem:s24+$0x30] =	vst v14;
	v14 =	vadd.f32 v16, v15  }
0xd5: {  	s23 =	sadd.s32 $0x1, s23  }
0xd6: {  	p0 =	sne.s32 s23, $0x20  }
.Ltmp1:
0xd7: {  	v9 =	vadd.f32 v11, v9;
	(pc) =	sbr.rel @p0 .LBB2_3-.Ltmp1, $4  }
0xd8: {  	[tilespmem:s24+$0x40] =	vst v14;
	v10 =	vadd.f32 v13, v10  }
0xd9: {  	[tilespmem:s24+$0x50] =	vst v9;
	v8 =	vadd.f32 v8, v12  }
0xda: {  	[tilespmem:s24+$0x60] =	vst v10  }
0xdb: {  	s21 =	sadd.s32 $0x1, s21;
	[tilespmem:s24+$0xFFFFFC00] =	vst v8  }
0xdc: {  	v8 =	vld [tilespmem:$0x1E280];
	_ =	sdelay $0x4  }
0xdd: {  	v9 =	vshrl.u32 v8, $0x3  }
0xde: {  	v9 =	vmul.u32 $0x30, v9  }
0xdf: {  	v8 =	vand.u32 $0x7, v8  }
0xe0: {  	v8 =	vor.u32 v8, v9  }
0xe1: {  	v9 =	vperm.xlane v8, v5;
	_ =	sdelay $0x1  }
0xe2: {  	v9 =	vadd.s32 v6, v9;
	_ =	sdelay $0x1  }
0xe3: {  	s21 =	smul.u32 $0x1E00, s22  }
0xe4: {  	s28 =	rddreg [dreg:$0x6]  }
0xe5: {  	s24 =	simm.s32 $0x0;
	s21 =	sadd.s32 s28, s21;
	v8 =	vperm.xlane v8, v7  }
0xe6: {  	[hbm4b:s21+s24] =	stream.indirect_vreg.scatter [tilespmem:s29], [sflag:$0x3], $0x80, v9, vm0, $0xb8;
	[tilespmem:$0x1E380] =	vst v63  }
0xe7: {  	s22 =	sadd.s32 $0x100, s21;
	v8 =	vadd.s32 v6, v8  }
0xe8: {  	[hbm4b:s22+s24] =	stream.indirect_vreg.scatter [tilespmem:s30], [sflag:$0x3], $0x80, v9, vm0, $0xb8;
	[tilespmem:$0x1E380] =	vst v63  }
0xe9: {  	s25 =	simm.s32 $0x1280;
	s23 =	sadd.s32 $0x200, s21  }
0xea: {  	[hbm4b:s23+s24] =	stream.indirect_vreg.scatter [tilespmem:s25], [sflag:$0x3], $0x80, v9, vm0, $0xb8;
	[tilespmem:$0x1E380] =	vst v63  }
0xeb: {  	s30 =	simm.s32 $0x1A80  }
0xec: {  	[hbm4b:s21+s24] =	stream.indirect_vreg.scatter [tilespmem:s30], [sflag:$0x3], $0x80, v8, vm0, $0xb8;
	[tilespmem:$0x1E380] =	vst v63  }
0xed: {  	s26 =	simm.s32 $0x2280  }
0xee: {  	[hbm4b:s22+s24] =	stream.indirect_vreg.scatter [tilespmem:s26], [sflag:$0x3], $0x80, v8, vm0, $0xb8;
	[tilespmem:$0x1E380] =	vst v63  }
0xef: {  	s28 =	simm.s32 $0x2A80  }
0xf0: {  	[hbm4b:s23+s24] =	stream.indirect_vreg.scatter [tilespmem:s28], [sflag:$0x3], $0x80, v8, vm0, $0xb8;
	[tilespmem:$0x1E380] =	vst v63  }
0xf1: {  	v8 =	vld [tilespmem:$0x1E290];
	_ =	sdelay $0x4  }
0xf2: {  	v63 =	vshrl.u32 v8, $0x3  }
0xf3: {  	v9 =	vmul.u32 $0x30, v63  }
0xf4: {  	v8 =	vand.u32 $0x7, v8  }
0xf5: {  	v8 =	vor.u32 v8, v9  }
0xf6: {  	v9 =	vperm.xlane v8, v5;
	_ =	sdelay $0x1  }
0xf7: {  	v9 =	vadd.s32 v6, v9;
	_ =	sdelay $0x3  }
0xf8: {  	s29 =	simm.s32 $0x3280;
	v8 =	vperm.xlane v8, v7  }
0xf9: {  	[hbm4b:s21+s24] =	stream.indirect_vreg.scatter [tilespmem:s29], [sflag:$0x3], $0x80, v9, vm0, $0xb8;
	[tilespmem:$0x1E380] =	vst v63  }
0xfa: {  	s30 =	simm.s32 $0x3A80;
	v8 =	vadd.s32 v6, v8  }
0xfb: {  	[hbm4b:s22+s24] =	stream.indirect_vreg.scatter [tilespmem:s30], [sflag:$0x3], $0x80, v9, vm0, $0xb8;
	[tilespmem:$0x1E380] =	vst v63  }
0xfc: {  	s26 =	simm.s32 $0x4280  }
0xfd: {  	[hbm4b:s23+s24] =	stream.indirect_vreg.scatter [tilespmem:s26], [sflag:$0x3], $0x80, v9, vm0, $0xb8;
	[tilespmem:$0x1E380] =	vst v63  }
0xfe: {  	s28 =	simm.s32 $0x4A80  }
0xff: {  	[hbm4b:s21+s24] =	stream.indirect_vreg.scatter [tilespmem:s28], [sflag:$0x3], $0x80, v8, vm0, $0xb8;
	[tilespmem:$0x1E380] =	vst v63  }
0x100: {  	s29 =	simm.s32 $0x5280  }
0x101: {  	[hbm4b:s22+s24] =	stream.indirect_vreg.scatter [tilespmem:s29], [sflag:$0x3], $0x80, v8, vm0, $0xb8;
	[tilespmem:$0x1E380] =	vst v63  }
0x102: {  	s30 =	simm.s32 $0x5A80  }
0x103: {  	[hbm4b:s23+s24] =	stream.indirect_vreg.scatter [tilespmem:s30], [sflag:$0x3], $0x80, v8, vm0, $0xb8;
	[tilespmem:$0x1E380] =	vst v63  }
0x104: {  	_ =	swait.ge [sflag:s19], $0x9000  }
0x105: {  	[sflag:s19] =	ssyncset.done $0x0  }
0x106: {  	s25 =	simm.s32 $0x20;
	[sflag:s19] =	ssyncadd.s32 $0xFFFF7000  }
.LBB2_7:
0x107: {  	s26 =	sshrl.u32 s25, $0x3  }
0x108: {  	s28 =	sand.u32 $0x7, s24;
	s26 =	smul.u32 $0x6000, s26  }
0x109: {  	s28 =	sshll.u32 s28, $0x9  }
0x10a: {  	s26 =	sor.u32 s28, s26  }
0x10b: {  	s28 =	sshra.s32 s26, $0x2  }
0x10c: {  	s26 =	sadd.s32 $0x680, s28  }
0x10d: {  	s28 =	sadd.s32 $0xF680, s28;
	v9 =	vld [tilespmem:s26+$0x70]  }
0x10e: {  	v10 =	vld [tilespmem:s28+$0x70]  }
0x10f: {  	v8 =	vld [tilespmem:s28+$0xFFFFFC00]  }
0x110: {  	v11 =	vld [tilespmem:s26+$0xFFFFFC10]  }
0x111: {  	v12 =	vld [tilespmem:s28+$0xFFFFFC10]  }
0x112: {  	v13 =	vld [tilespmem:s26+$0xFFFFFC20]  }
0x113: {  	v14 =	vld [tilespmem:s28+$0xFFFFFC20]  }
0x114: {  	v15 =	vld [tilespmem:s26+$0xFFFFFC30]  }
0x115: {  	v16 =	vld [tilespmem:s28+$0xFFFFFC30]  }
0x116: {  	v17 =	vld [tilespmem:s26+$0xFFFFFC40]  }
0x117: {  	v18 =	vld [tilespmem:s28+$0xFFFFFC40]  }
0x118: {  	v19 =	vld [tilespmem:s26+$0xFFFFFC50]  }
0x119: {  	v20 =	vld [tilespmem:s28+$0xFFFFFC50]  }
0x11a: {  	v21 =	vld [tilespmem:s26+$0xFFFFFC60]  }
0x11b: {  	v22 =	vld [tilespmem:s28+$0xFFFFFC60]  }
0x11c: {  	v23 =	vld [tilespmem:s26+$0xFFFFFC70]  }
0x11d: {  	v24 =	vld [tilespmem:s28+$0xFFFFFC70]  }
0x11e: {  	v25 =	vld [tilespmem:s26+$0x0]  }
0x11f: {  	v60 =	vld [tilespmem:s26+$0x30];
	v9 =	vadd.f32 v10, v9  }
0x120: {  	v10 =	vld [tilespmem:s28+$0x0];
	v11 =	vadd.f32 v12, v11  }
0x121: {  	v12 =	vld [tilespmem:s26+$0x10];
	[tilespmem:s26+$0x70] =	vst v9;
	v9 =	vadd.f32 v14, v13  }
0x122: {  	v13 =	vld [tilespmem:s28+$0x10];
	[tilespmem:s26+$0xFFFFFC10] =	vst v11;
	v11 =	vadd.f32 v16, v15  }
0x123: {  	v14 =	vld [tilespmem:s26+$0x20];
	[tilespmem:s26+$0xFFFFFC20] =	vst v9;
	v9 =	vadd.f32 v18, v17  }
0x124: {  	v15 =	vld [tilespmem:s28+$0x20];
	[tilespmem:s26+$0xFFFFFC30] =	vst v11;
	v11 =	vadd.f32 v20, v19  }
0x125: {  	v61 =	vld [tilespmem:s28+$0x30];
	v10 =	vadd.f32 v10, v25;
	[tilespmem:s26+$0xFFFFFC40] =	vst v9  }
0x126: {  	v62 =	vld [tilespmem:s26+$0x40];
	v9 =	vadd.f32 v22, v21;
	[tilespmem:s26+$0xFFFFFC50] =	vst v11  }
0x127: {  	v63 =	vld [tilespmem:s28+$0x40];
	v11 =	vadd.f32 v24, v23;
	[tilespmem:s26+$0x0] =	vst v10  }
0x128: {  	v12 =	vadd.f32 v13, v12;
	[tilespmem:s26+$0xFFFFFC60] =	vst v9;
	v9 =	vld [tilespmem:s26+$0x50]  }
0x129: {  	v13 =	vadd.f32 v15, v14;
	[tilespmem:s26+$0xFFFFFC70] =	vst v11;
	v11 =	vld [tilespmem:s28+$0x50]  }
0x12a: {  	v14 =	vadd.f32 v61, v60;
	v10 =	vld [tilespmem:s26+$0x60];
	[tilespmem:s26+$0x10] =	vst v12  }
0x12b: {  	[tilespmem:s26+$0x20] =	vst v13;
	v13 =	vld [tilespmem:s28+$0x60]  }
0x12c: {  	s29 =	simm.s32 $0x0;
	s30 =	sadd.s32 $0x800, s26;
	v12 =	vld [tilespmem:s26+$0xFFFFFC00];
	[tilespmem:s26+$0x30] =	vst v14;
	v14 =	vadd.f32 v63, v62  }
.LBB2_8:
0x12d: {  	v15 =	vld [tilespmem:s30+$0x70];
	s28 =	sadd.s32 $0x800, s28  }
0x12e: {  	s29 =	sadd.s32 $0x10, s29;
	v16 =	vld [tilespmem:s28+$0x70];
	[tilespmem:s26+$0x40] =	vst v14;
	v9 =	vadd.f32 v11, v9  }
0x12f: {  	p0 =	slt.u32 s29, $0x20;
	v11 =	vld [tilespmem:s28+$0xFFFFFC00]  }
0x130: {  	v14 =	vld [tilespmem:s30+$0xFFFFFC10];
	[tilespmem:s26+$0x50] =	vst v9;
	v9 =	vadd.f32 v13, v10  }
0x131: {  	v10 =	vld [tilespmem:s28+$0xFFFFFC10];
	v17 =	vadd.f32 v8, v12  }
0x132: {  	v12 =	vld [tilespmem:s30+$0xFFFFFC20];
	[tilespmem:s26+$0x60] =	vst v9  }
0x133: {  	v9 =	vld [tilespmem:s28+$0xFFFFFC20];
	v13 =	vadd.f32 v16, v15;
	[tilespmem:s26+$0xFFFFFC00] =	vst v17;
	s26 =	smov.u32 s30  }
0x134: {  	v15 =	vld [tilespmem:s30+$0xFFFFFC30];
	v8 =	vmov v11  }
0x135: {  	v11 =	vld [tilespmem:s28+$0xFFFFFC30];
	[tilespmem:s30+$0x70] =	vst v13  }
0x136: {  	v10 =	vadd.f32 v10, v14;
	v13 =	vld [tilespmem:s30+$0xFFFFFC40]  }
0x137: {  	v14 =	vld [tilespmem:s28+$0xFFFFFC40]  }
0x138: {  	[tilespmem:s30+$0xFFFFFC10] =	vst v10;
	v9 =	vadd.f32 v9, v12;
	v10 =	vld [tilespmem:s30+$0xFFFFFC50]  }
0x139: {  	v12 =	vld [tilespmem:s28+$0xFFFFFC50]  }
0x13a: {  	[tilespmem:s30+$0xFFFFFC20] =	vst v9;
	v9 =	vadd.f32 v11, v15;
	v11 =	vld [tilespmem:s30+$0xFFFFFC60]  }
0x13b: {  	v15 =	vld [tilespmem:s28+$0xFFFFFC60]  }
0x13c: {  	[tilespmem:s30+$0xFFFFFC30] =	vst v9;
	v9 =	vadd.f32 v14, v13;
	v13 =	vld [tilespmem:s30+$0xFFFFFC70]  }
0x13d: {  	v14 =	vld [tilespmem:s28+$0xFFFFFC70]  }
0x13e: {  	[tilespmem:s30+$0xFFFFFC40] =	vst v9;
	v9 =	vadd.f32 v12, v10;
	v10 =	vld [tilespmem:s30+$0x0]  }
0x13f: {  	v12 =	vld [tilespmem:s28+$0x0]  }
0x140: {  	[tilespmem:s30+$0xFFFFFC50] =	vst v9;
	v9 =	vadd.f32 v15, v11;
	v11 =	vld [tilespmem:s30+$0x10]  }
0x141: {  	v15 =	vld [tilespmem:s28+$0x10]  }
0x142: {  	[tilespmem:s30+$0xFFFFFC60] =	vst v9;
	v9 =	vadd.f32 v14, v13;
	v13 =	vld [tilespmem:s30+$0x20]  }
0x143: {  	v14 =	vld [tilespmem:s28+$0x20]  }
0x144: {  	[tilespmem:s30+$0xFFFFFC70] =	vst v9;
	v9 =	vadd.f32 v12, v10;
	v10 =	vld [tilespmem:s30+$0x30]  }
0x145: {  	v12 =	vld [tilespmem:s28+$0x30]  }
0x146: {  	[tilespmem:s30+$0x0] =	vst v9;
	v9 =	vadd.f32 v15, v11;
	v15 =	vld [tilespmem:s30+$0x40]  }
0x147: {  	v16 =	vld [tilespmem:s28+$0x40]  }
.Ltmp2:
0x148: {  	[tilespmem:s30+$0x10] =	vst v9;
	v13 =	vadd.f32 v14, v13;
	v9 =	vld [tilespmem:s30+$0x50];
	(pc) =	sbr.rel @p0 .LBB2_8-.Ltmp2, $4  }
0x149: {  	v11 =	vld [tilespmem:s28+$0x50]  }
0x14a: {  	[tilespmem:s30+$0x20] =	vst v13;
	v14 =	vadd.f32 v12, v10;
	v10 =	vld [tilespmem:s30+$0x60]  }
0x14b: {  	v13 =	vld [tilespmem:s28+$0x60]  }
0x14c: {  	s30 =	sadd.s32 $0x800, s30;
	v12 =	vld [tilespmem:s26+$0xFFFFFC00];
	[tilespmem:s26+$0x30] =	vst v14;
	v14 =	vadd.f32 v16, v15  }
0x14d: {  	s25 =	sadd.s32 $0x1, s25  }
0x14e: {  	p0 =	sne.s32 s25, $0x50  }
.Ltmp3:
0x14f: {  	v9 =	vadd.f32 v11, v9;
	(pc) =	sbr.rel @p0 .LBB2_7-.Ltmp3, $4  }
0x150: {  	[tilespmem:s26+$0x40] =	vst v14;
	v10 =	vadd.f32 v13, v10  }
0x151: {  	[tilespmem:s26+$0x50] =	vst v9;
	v8 =	vadd.f32 v8, v12  }
0x152: {  	[tilespmem:s26+$0x60] =	vst v10  }
0x153: {  	s24 =	sadd.s32 $0x1, s24;
	[tilespmem:s26+$0xFFFFFC00] =	vst v8  }
0x154: {  	v8 =	vld [tilespmem:$0x1E300];
	_ =	sdelay $0x4  }
0x155: {  	v9 =	vshrl.u32 v8, $0x3  }
0x156: {  	v9 =	vmul.u32 $0x30, v9  }
0x157: {  	v8 =	vand.u32 $0x7, v8  }
0x158: {  	v8 =	vor.u32 v8, v9  }
0x159: {  	v9 =	vperm.xlane v8, v5;
	_ =	sdelay $0x1  }
0x15a: {  	v9 =	vadd.s32 v6, v9;
	_ =	sdelay $0x3  }
0x15b: {  	s24 =	simm.s32 $0x6280;
	v8 =	vperm.xlane v8, v7  }
0x15c: {  	[hbm4b:s21+s4] =	stream.indirect_vreg.scatter [tilespmem:s24], [sflag:$0x4], $0x80, v9, vm0, $0xb8;
	[tilespmem:$0x1E380] =	vst v63  }
0x15d: {  	s25 =	simm.s32 $0x6A80;
	v8 =	vadd.s32 v6, v8  }
0x15e: {  	[hbm4b:s22+s4] =	stream.indirect_vreg.scatter [tilespmem:s25], [sflag:$0x4], $0x80, v9, vm0, $0xb8;
	[tilespmem:$0x1E380] =	vst v63  }
0x15f: {  	s26 =	simm.s32 $0x7280  }
0x160: {  	[hbm4b:s23+s4] =	stream.indirect_vreg.scatter [tilespmem:s26], [sflag:$0x4], $0x80, v9, vm0, $0xb8;
	[tilespmem:$0x1E380] =	vst v63  }
0x161: {  	_ = 	snop  }
0x162: {  	[hbm4b:s21+s4] =	stream.indirect_vreg.scatter [tilespmem:s31], [sflag:$0x4], $0x80, v8, vm0, $0xb8;
	[tilespmem:$0x1E380] =	vst v63  }
0x163: {  	_ = 	snop  }
0x164: {  	[hbm4b:s22+s4] =	stream.indirect_vreg.scatter [tilespmem:s0], [sflag:$0x4], $0x80, v8, vm0, $0xb8;
	[tilespmem:$0x1E380] =	vst v63  }
0x165: {  	_ = 	snop  }
0x166: {  	[hbm4b:s23+s4] =	stream.indirect_vreg.scatter [tilespmem:s3], [sflag:$0x4], $0x80, v8, vm0, $0xb8;
	[tilespmem:$0x1E380] =	vst v63  }
0x167: {  	v8 =	vld [tilespmem:$0x1E310];
	_ =	sdelay $0x4  }
0x168: {  	v62 =	vshrl.u32 v8, $0x3  }
0x169: {  	v9 =	vmul.u32 $0x30, v62  }
0x16a: {  	v8 =	vand.u32 $0x7, v8  }
0x16b: {  	v8 =	vor.u32 v8, v9  }
0x16c: {  	v9 =	vperm.xlane v8, v5;
	_ =	sdelay $0x1  }
0x16d: {  	v9 =	vadd.s32 v6, v9;
	_ =	sdelay $0x3  }
0x16e: {  	v8 =	vperm.xlane v8, v7  }
0x16f: {  	[hbm4b:s21+s4] =	stream.indirect_vreg.scatter [tilespmem:s2], [sflag:$0x4], $0x80, v9, vm0, $0xb8;
	[tilespmem:$0x1E380] =	vst v63  }
0x170: {  	v8 =	vadd.s32 v6, v8  }
0x171: {  	[hbm4b:s22+s4] =	stream.indirect_vreg.scatter [tilespmem:s12], [sflag:$0x4], $0x80, v9, vm0, $0xb8;
	[tilespmem:$0x1E380] =	vst v63  }
0x172: {  	_ = 	snop  }
0x173: {  	[hbm4b:s23+s4] =	stream.indirect_vreg.scatter [tilespmem:s14], [sflag:$0x4], $0x80, v9, vm0, $0xb8;
	[tilespmem:$0x1E380] =	vst v63  }
0x174: {  	_ = 	snop  }
0x175: {  	[hbm4b:s21+s4] =	stream.indirect_vreg.scatter [tilespmem:s5], [sflag:$0x4], $0x80, v8, vm0, $0xb8;
	[tilespmem:$0x1E380] =	vst v63  }
0x176: {  	_ = 	snop  }
0x177: {  	[hbm4b:s22+s4] =	stream.indirect_vreg.scatter [tilespmem:s8], [sflag:$0x4], $0x80, v8, vm0, $0xb8;
	[tilespmem:$0x1E380] =	vst v63  }
0x178: {  	_ = 	snop  }
0x179: {  	[hbm4b:s23+s4] =	stream.indirect_vreg.scatter [tilespmem:s11], [sflag:$0x4], $0x80, v8, vm0, $0xb8;
	[tilespmem:$0x1E380] =	vst v63  }
0x17a: {  	v8 =	vld [tilespmem:$0x1E320];
	_ =	sdelay $0x4  }
0x17b: {  	v63 =	vshrl.u32 v8, $0x3  }
0x17c: {  	v9 =	vmul.u32 $0x30, v63  }
0x17d: {  	v8 =	vand.u32 $0x7, v8  }
0x17e: {  	v8 =	vor.u32 v8, v9  }
0x17f: {  	v9 =	vperm.xlane v8, v5;
	_ =	sdelay $0x1  }
0x180: {  	v9 =	vadd.s32 v6, v9;
	_ =	sdelay $0x3  }
0x181: {  	v8 =	vperm.xlane v8, v7  }
0x182: {  	[hbm4b:s21+s4] =	stream.indirect_vreg.scatter [tilespmem:s13], [sflag:$0x4], $0x80, v9, vm0, $0xb8;
	[tilespmem:$0x1E380] =	vst v63  }
0x183: {  	v8 =	vadd.s32 v6, v8  }
0x184: {  	[hbm4b:s22+s4] =	stream.indirect_vreg.scatter [tilespmem:s6], [sflag:$0x4], $0x80, v9, vm0, $0xb8;
	[tilespmem:$0x1E380] =	vst v63  }
0x185: {  	s20 =	sadd.s32 $0x1, s20  }
0x186: {  	[hbm4b:s23+s4] =	stream.indirect_vreg.scatter [tilespmem:s7], [sflag:$0x4], $0x80, v9, vm0, $0xb8;
	[tilespmem:$0x1E380] =	vst v63  }
0x187: {  	p0 =	sne.s32 s20, $0x8  }
0x188: {  	[hbm4b:s21+s4] =	stream.indirect_vreg.scatter [tilespmem:s15], [sflag:$0x4], $0x80, v8, vm0, $0xb8;
	[tilespmem:$0x1E380] =	vst v63  }
.Ltmp4:
0x189: {  	_ = 	snop;
	(pc) =	sbr.rel @p0 .LBB2_2-.Ltmp4, $4  }
0x18a: {  	_ = 	snop  }
0x18b: {  	[hbm4b:s22+s4] =	stream.indirect_vreg.scatter [tilespmem:s16], [sflag:$0x4], $0x80, v8, vm0, $0xb8;
	[tilespmem:$0x1E380] =	vst v63  }
0x18c: {  	s29 =	simm.s32 $0x280;
	s30 =	simm.s32 $0xA80  }
0x18d: {  	[hbm4b:s23+s4] =	stream.indirect_vreg.scatter [tilespmem:s17], [sflag:$0x4], $0x80, v8, vm0, $0xb8;
	[tilespmem:$0x1E380] =	vst v63  }
0x18e: {  	s20 =	simm.s32 $0x3  }
0x18f: {  	_ =	swait.ge [sflag:s20], $0x6000  }
0x190: {  	[sflag:s20] =	ssyncset.done $0x0  }
0x191: {  	s21 =	simm.s32 $0x4;
	[sflag:s20] =	ssyncadd.s32 $0xFFFFA000  }
0x192: {  	_ =	swait.ge [sflag:s21], $0x9000  }
0x193: {  	s22 =	rddreg [dreg:$0xa]  }
0x194: {  	s28 =	rddreg [dreg:$0x9];
	s22 =	sadd.s32 $0x1, s22  }
0x195: {  	p0 =	sne.s32 s22, s28  }
.Ltmp5:
0x196: {  	_ = 	snop;
	(pc) =	sbr.rel @p0 .LBB2_1-.Ltmp5, $3  }
0x197: {  	_ =	sdelay $0x1  }
0x198: {  	[sflag:s21] =	ssyncset.done $0x0  }
0x199: {  	[sflag:s21] =	ssyncadd.s32 $0xFFFF7000  }
0x19a: {  	_ =	sfence.sel $0x180000  }
0x19b: {  	[bflag:$0x0] =	sbarrier.arrive $0xFFFF  }
0x19c: {  	_ =	strace $0x90000047  }
0x19d: {  	s0 =	stileid.u32;
	[bflag:$0x2] =	sbarrier.arrive $0xFFFF  }
0x19e: {  	p0 =	sne.s32 s0, $0x0;
	s0 =	rddreg [dreg:$0x4]  }
0x19f: {  	s0 =	sadd.s32 @!p0 $0x100000, s0  }
0x1a0: {  	[sflag:s0] =	ssyncadd.tile.s32 @!p0 $0x1;
	_ =	shalt  }
.Lfunc_end2:
_tile_overlayer_lowered:
.L_overlay_start_2:
0x1a1: {  	(tag) =	ssettag $0x2  }
0x1a2: {  	s0 =	rddreg [dreg:$0x0];
	s2 =	stileid.u32  }
0x1a3: {  	s1 =	rddreg [dreg:$0x1];
	p0 =	sne.s32 s2, $0x0  }
0x1a4: {  	s3 =	rddreg [dreg:$0x2];
	[bflag:$0x3] =	sbarrier.arrive $0xFFFF;
	s2 =	simm.s32 @!p0 $0x1C05  }
0x1a5: {  	[timem:s3], [sflag:s2] =	dma.local @!p0 [hbm:s0], s1  }
0x1a6: {  	s0 =	simm.s32 @!p0 $0x5  }
0x1a7: {  	_ =	swait.ge @!p0 [sflag:s0], s1  }
0x1a8: {  	s1 =	ssub.s32 @!p0 $0x0, s1;
	[sflag:s0] =	ssyncset.done @!p0 $0x0  }
0x1a9: {  	[sflag:s0] =	ssyncadd.s32 @!p0 s1  }
0x1aa: {  	[bflag:$0x3] =	sbarrier.arrive $0xFFFF  }
0x1ab: {  	_ =	shalt  }

</sc_bundles>
